<compile_context>
chip_gen: v7x
topology: tpu7x:2x2x1
jax: 0.10.2.dev20260603
libtpu: 0.0.44.dev20260713+nightly
codegen_flags: <defaults>
</compile_context>

<pallas_src>
import functools

import jax
import jax.numpy as jnp
from jax import lax
from jax.experimental import pallas as pl
from jax.experimental.pallas import tpu as pltpu
from jax.experimental.pallas import tpu_sc as plsc

N, E, FX, FE, H, FO = 10000, 320000, 128, 16, 128, 128
NC, NS = 2, 16
NW = NC * NS
EPT = E // NW
CHUNK = 2000
NCHUNK = EPT // CHUNK
ROWS = 624
ZROWS = ROWS


def _sc_entry(dst_hbm, attr_hbm, ones_hbm, zeros_hbm, sums_out, cnts_out,
              acc_s, acc_c, attr_v, ones_v, *idx_vs):
    if True:
        c = lax.axis_index("c")
        s = lax.axis_index("s")
        wid = c * NS + s

        pltpu.sync_copy(ones_hbm, ones_v)
        ebase = wid * EPT
        for j in range(NCHUNK):
            pltpu.sync_copy(dst_hbm.at[pl.ds(ebase + j * CHUNK, CHUNK)],
                            idx_vs[j])

        row0 = s * ROWS
        pltpu.sync_copy(zeros_hbm, acc_s.at[pl.ds(row0, ROWS)])
        pltpu.sync_copy(zeros_hbm, acc_c.at[pl.ds(row0, ROWS)])

        tail0, tail = NS * ROWS, N - NS * ROWS

        @pl.when(s == NS - 1)
        def _():
            pltpu.sync_copy(zeros_hbm.at[pl.ds(0, tail)],
                            acc_s.at[pl.ds(tail0, tail)])
            pltpu.sync_copy(zeros_hbm.at[pl.ds(0, tail)],
                            acc_c.at[pl.ds(tail0, tail)])

        plsc.subcore_barrier()

        for j in range(NCHUNK):
            pltpu.sync_copy(attr_hbm.at[pl.ds(ebase + j * CHUNK, CHUNK)],
                            attr_v)
            pltpu.sync_copy(attr_v, acc_s.at[idx_vs[j]], add=True)
            pltpu.sync_copy(ones_v, acc_c.at[idx_vs[j]], add=True)

        plsc.subcore_barrier()

        pltpu.sync_copy(acc_s.at[pl.ds(row0, ROWS)],
                        sums_out.at[c, pl.ds(row0, ROWS)])
        pltpu.sync_copy(acc_c.at[pl.ds(row0, ROWS)],
                        cnts_out.at[c, pl.ds(row0, ROWS)])

        @pl.when(s == NS - 1)
        def _():
            pltpu.sync_copy(acc_s.at[pl.ds(tail0, tail)],
                            sums_out.at[c, pl.ds(tail0, tail)])
            pltpu.sync_copy(acc_c.at[pl.ds(tail0, tail)],
                            cnts_out.at[c, pl.ds(tail0, tail)])


@jax.jit
def _sc_scatter(dst, attr, ones, zeros):
    mesh = plsc.VectorSubcoreMesh(core_axis_name="c", subcore_axis_name="s")
    f = pl.kernel(
        _sc_entry,
        out_type=[jax.ShapeDtypeStruct((NC, N, FE), jnp.float32),
                  jax.ShapeDtypeStruct((NC, N, FE), jnp.float32)],
        mesh=mesh,
        scratch_types=(
            [pltpu.VMEM_SHARED((N, FE), jnp.float32),
             pltpu.VMEM_SHARED((N, FE), jnp.float32),
             pltpu.VMEM((CHUNK, FE), jnp.float32),
             pltpu.VMEM((CHUNK, FE), jnp.float32)]
            + [pltpu.VMEM((CHUNK,), jnp.int32) for _ in range(NCHUNK)]
        ),
        compiler_params=pltpu.CompilerParams(use_tc_tiling_on_sc=False),
        name="sc_scatter_mean",
    )
    return f(dst, attr, ones, zeros)


def _tc_body(x_ref, s_ref, c_ref, w1a_ref, w1b_ref, b1_ref, w2_ref, b2_ref,
             o_ref):
    ssum = s_ref[0] + s_ref[1]
    cnt = jnp.maximum(c_ref[0] + c_ref[1], 1.0)
    agg = ssum / cnt
    h = jnp.dot(x_ref[...], w1a_ref[...], preferred_element_type=jnp.float32)
    h += jnp.dot(agg, w1b_ref[...], preferred_element_type=jnp.float32)
    h = jnp.maximum(h + b1_ref[...], 0.0)
    o_ref[...] = (jnp.dot(h, w2_ref[...], preferred_element_type=jnp.float32)
                  + b2_ref[...])


@jax.jit
def _tc_mlp(x, sums, cnts, W1a, W1b, b1, W2, b2):
    return pl.pallas_call(
        _tc_body,
        out_shape=jax.ShapeDtypeStruct((N, FO), jnp.float32),
        name="tc_node_mlp",
    )(x, sums, cnts, W1a, W1b, b1, W2, b2)


def kernel(x, edge_index, edge_attr, W1, b1, W2, b2):
    ones = jnp.ones((CHUNK, FE), jnp.float32)
    zeros = jnp.zeros((ZROWS, FE), jnp.float32)
    sums, cnts = _sc_scatter(edge_index[1], edge_attr, ones, zeros)
    return _tc_mlp(x, sums, cnts, W1[:FX], W1[FX:], b1.reshape(1, H),
                   W2, b2.reshape(1, FO))

# --- scband reference (transcript-rebuilt; emitter-appended) ---
"""Pipeline reference for scband-node-model-62921270886987 (READ-ONLY COPY).

The authoritative reference and input builder live on the scoring server;
editing this copy changes nothing except your own understanding.
"""

import jax, jax.numpy as jnp
import numpy as np

N, E, FX, FE, H, FO = 10000, 320000, 128, 16, 128, 128

def setup_inputs(seed: int = 0) -> dict:
    key = jax.random.key(seed)
    ks = jax.random.split(key, 8)
    x = jax.random.normal(ks[0], (N, FX), dtype=jnp.float32)
    edge_index = jax.random.randint(ks[1], (2, E), 0, N, dtype=jnp.int32)
    edge_attr = jax.random.normal(ks[2], (E, FE), dtype=jnp.float32)
    # node_mlp params: Linear(144 -> 128), ReLU, Linear(128 -> 128)
    W1 = jax.random.normal(ks[3], (FX + FE, H), dtype=jnp.float32) * (1.0 / np.sqrt(FX + FE))
    b1 = jnp.zeros((H,), dtype=jnp.float32)
    W2 = jax.random.normal(ks[4], (H, FO), dtype=jnp.float32) * (1.0 / np.sqrt(H))
    b2 = jnp.zeros((FO,), dtype=jnp.float32)
    return {"x": x, "edge_index": edge_index, "edge_attr": edge_attr,
            "W1": W1, "b1": b1, "W2": W2, "b2": b2}

def reference(x, edge_index, edge_attr, W1, b1, W2, b2):
    num_nodes = x.shape[0]
    dst = edge_index[1]
    # scatter(edge_attr, dst, dim=0, dim_size=N, reduce='mean')
    summed = jax.ops.segment_sum(edge_attr, dst, num_segments=num_nodes)
    counts = jax.ops.segment_sum(jnp.ones((edge_attr.shape[0],), dtype=x.dtype), dst, num_segments=num_nodes)
    aggregated_edges = summed / jnp.maximum(counts, 1.0)[:, None]
    node_inputs = jnp.concatenate([x, aggregated_edges], axis=-1)
    h = jnp.maximum(node_inputs @ W1 + b1, 0.0)
    return h @ W2 + b2

if __name__ == "__main__":
    import jax
    _d = setup_inputs()
    print(jax.jit(kernel)(*tuple(_d.values())))

</pallas_src>

<mosaic_0001>
#map = affine_map<(d0, d1) -> (0)>
#map1 = affine_map<(d0, d1) -> (0, 0)>
#map2 = affine_map<(d0, d1) -> (0, 0, 0)>
module attributes {stable_mosaic.version = 14 : i64} {
  func.func @sc_scatter_mean(%arg0: i32, %arg1: i32, %arg2: memref<320000xi32, #tpu.memory_space<hbm>>, %arg3: memref<320000x16xf32, #tpu.memory_space<hbm>>, %arg4: memref<2000x16xf32, #tpu.memory_space<hbm>>, %arg5: memref<624x16xf32, #tpu.memory_space<hbm>>, %arg6: memref<2x10000x16xf32, #tpu.memory_space<hbm>>, %arg7: memref<2x10000x16xf32, #tpu.memory_space<hbm>>, %arg8: memref<10000x16xf32, #tpu.memory_space<vmem_shared>>, %arg9: memref<10000x16xf32, #tpu.memory_space<vmem_shared>>, %arg10: memref<2000x16xf32, #tpu.memory_space<vmem>>, %arg11: memref<2000x16xf32, #tpu.memory_space<vmem>>, %arg12: memref<2000xi32, #tpu.memory_space<vmem>>, %arg13: memref<2000xi32, #tpu.memory_space<vmem>>, %arg14: memref<2000xi32, #tpu.memory_space<vmem>>, %arg15: memref<2000xi32, #tpu.memory_space<vmem>>, %arg16: memref<2000xi32, #tpu.memory_space<vmem>>) attributes {dimension_semantics = [#tpu.dimension_semantics<core_parallel>, #tpu.dimension_semantics<subcore_parallel>], iteration_bounds = array<i64: 2, 16>, scalar_prefetch = 0 : i64, scratch_operands = 9 : i64, tpu.core_type = #tpu.core_type<sc_vector_subcore>, window_params = [{transform_indices = #map}, {transform_indices = #map1}, {transform_indices = #map1}, {transform_indices = #map1}, {transform_indices = #map2}, {transform_indices = #map2}]} {
    %mul3A = arith.constant 16 : i32
    %mul3A_0 = arith.muli %arg0, %mul3A : i32
    %add3A = arith.addi %mul3A_0, %arg1 : i32
    "tpu.region"() ({
      %run_scoped3A = tpu.sem_alloc : memref<!tpu.dma_semaphore, #tpu.memory_space<semaphore_mem>>
      tpu.enqueue_dma source(%arg4 : memref<2000x16xf32, #tpu.memory_space<hbm>>) target(%arg11 : memref<2000x16xf32, #tpu.memory_space<vmem>>) target_semaphore(%run_scoped3A : memref<!tpu.dma_semaphore, #tpu.memory_space<semaphore_mem>>)
      tpu.wait_dma2 semaphore(%run_scoped3A : memref<!tpu.dma_semaphore, #tpu.memory_space<semaphore_mem>>) src(%arg4 : memref<2000x16xf32, #tpu.memory_space<hbm>>) dst(%arg11 : memref<2000x16xf32, #tpu.memory_space<vmem>>)
      tpu.yield
    }) : () -> ()
    %mul3A_1 = arith.constant 10000 : i32
    %mul3A_2 = arith.muli %add3A, %mul3A_1 : i32
    %add3A_3 = arith.constant 0 : i32
    %add3A_4 = arith.addi %mul3A_2, %add3A_3 : i32
    "tpu.region"() ({
      %run_scoped3A = tpu.sem_alloc : memref<!tpu.dma_semaphore, #tpu.memory_space<semaphore_mem>>
      %dma_start3A = tpu.memref_slice %arg2[%add3A_4] : memref<320000xi32, #tpu.memory_space<hbm>> -> memref<2000xi32, #tpu.memory_space<hbm>>
      %dma_start3A_33 = tpu.memref_slice %arg2[%add3A_4] : memref<320000xi32, #tpu.memory_space<hbm>> -> memref<2000xi32, #tpu.memory_space<hbm>>
      tpu.enqueue_dma source(%dma_start3A_33 : memref<2000xi32, #tpu.memory_space<hbm>>) target(%arg12 : memref<2000xi32, #tpu.memory_space<vmem>>) target_semaphore(%run_scoped3A : memref<!tpu.dma_semaphore, #tpu.memory_space<semaphore_mem>>)
      %dma_wait3A = tpu.memref_slice %arg2[%add3A_4] : memref<320000xi32, #tpu.memory_space<hbm>> -> memref<2000xi32, #tpu.memory_space<hbm>>
      %dma_wait3A_34 = tpu.memref_slice %arg2[%add3A_4] : memref<320000xi32, #tpu.memory_space<hbm>> -> memref<2000xi32, #tpu.memory_space<hbm>>
      tpu.wait_dma2 semaphore(%run_scoped3A : memref<!tpu.dma_semaphore, #tpu.memory_space<semaphore_mem>>) src(%dma_wait3A_34 : memref<2000xi32, #tpu.memory_space<hbm>>) dst(%arg12 : memref<2000xi32, #tpu.memory_space<vmem>>)
      tpu.yield
    }) : () -> ()
    %add3A_5 = arith.constant 2000 : i32
    %add3A_6 = arith.addi %mul3A_2, %add3A_5 : i32
    "tpu.region"() ({
      %run_scoped3A = tpu.sem_alloc : memref<!tpu.dma_semaphore, #tpu.memory_space<semaphore_mem>>
      %dma_start3A = tpu.memref_slice %arg2[%add3A_6] : memref<320000xi32, #tpu.memory_space<hbm>> -> memref<2000xi32, #tpu.memory_space<hbm>>
      %dma_start3A_33 = tpu.memref_slice %arg2[%add3A_6] : memref<320000xi32, #tpu.memory_space<hbm>> -> memref<2000xi32, #tpu.memory_space<hbm>>
      tpu.enqueue_dma source(%dma_start3A_33 : memref<2000xi32, #tpu.memory_space<hbm>>) target(%arg13 : memref<2000xi32, #tpu.memory_space<vmem>>) target_semaphore(%run_scoped3A : memref<!tpu.dma_semaphore, #tpu.memory_space<semaphore_mem>>)
      %dma_wait3A = tpu.memref_slice %arg2[%add3A_6] : memref<320000xi32, #tpu.memory_space<hbm>> -> memref<2000xi32, #tpu.memory_space<hbm>>
      %dma_wait3A_34 = tpu.memref_slice %arg2[%add3A_6] : memref<320000xi32, #tpu.memory_space<hbm>> -> memref<2000xi32, #tpu.memory_space<hbm>>
      tpu.wait_dma2 semaphore(%run_scoped3A : memref<!tpu.dma_semaphore, #tpu.memory_space<semaphore_mem>>) src(%dma_wait3A_34 : memref<2000xi32, #tpu.memory_space<hbm>>) dst(%arg13 : memref<2000xi32, #tpu.memory_space<vmem>>)
      tpu.yield
    }) : () -> ()
    %add3A_7 = arith.constant 4000 : i32
    %add3A_8 = arith.addi %mul3A_2, %add3A_7 : i32
    "tpu.region"() ({
      %run_scoped3A = tpu.sem_alloc : memref<!tpu.dma_semaphore, #tpu.memory_space<semaphore_mem>>
      %dma_start3A = tpu.memref_slice %arg2[%add3A_8] : memref<320000xi32, #tpu.memory_space<hbm>> -> memref<2000xi32, #tpu.memory_space<hbm>>
      %dma_start3A_33 = tpu.memref_slice %arg2[%add3A_8] : memref<320000xi32, #tpu.memory_space<hbm>> -> memref<2000xi32, #tpu.memory_space<hbm>>
      tpu.enqueue_dma source(%dma_start3A_33 : memref<2000xi32, #tpu.memory_space<hbm>>) target(%arg14 : memref<2000xi32, #tpu.memory_space<vmem>>) target_semaphore(%run_scoped3A : memref<!tpu.dma_semaphore, #tpu.memory_space<semaphore_mem>>)
      %dma_wait3A = tpu.memref_slice %arg2[%add3A_8] : memref<320000xi32, #tpu.memory_space<hbm>> -> memref<2000xi32, #tpu.memory_space<hbm>>
      %dma_wait3A_34 = tpu.memref_slice %arg2[%add3A_8] : memref<320000xi32, #tpu.memory_space<hbm>> -> memref<2000xi32, #tpu.memory_space<hbm>>
      tpu.wait_dma2 semaphore(%run_scoped3A : memref<!tpu.dma_semaphore, #tpu.memory_space<semaphore_mem>>) src(%dma_wait3A_34 : memref<2000xi32, #tpu.memory_space<hbm>>) dst(%arg14 : memref<2000xi32, #tpu.memory_space<vmem>>)
      tpu.yield
    }) : () -> ()
    %add3A_9 = arith.constant 6000 : i32
    %add3A_10 = arith.addi %mul3A_2, %add3A_9 : i32
    "tpu.region"() ({
      %run_scoped3A = tpu.sem_alloc : memref<!tpu.dma_semaphore, #tpu.memory_space<semaphore_mem>>
      %dma_start3A = tpu.memref_slice %arg2[%add3A_10] : memref<320000xi32, #tpu.memory_space<hbm>> -> memref<2000xi32, #tpu.memory_space<hbm>>
      %dma_start3A_33 = tpu.memref_slice %arg2[%add3A_10] : memref<320000xi32, #tpu.memory_space<hbm>> -> memref<2000xi32, #tpu.memory_space<hbm>>
      tpu.enqueue_dma source(%dma_start3A_33 : memref<2000xi32, #tpu.memory_space<hbm>>) target(%arg15 : memref<2000xi32, #tpu.memory_space<vmem>>) target_semaphore(%run_scoped3A : memref<!tpu.dma_semaphore, #tpu.memory_space<semaphore_mem>>)
      %dma_wait3A = tpu.memref_slice %arg2[%add3A_10] : memref<320000xi32, #tpu.memory_space<hbm>> -> memref<2000xi32, #tpu.memory_space<hbm>>
      %dma_wait3A_34 = tpu.memref_slice %arg2[%add3A_10] : memref<320000xi32, #tpu.memory_space<hbm>> -> memref<2000xi32, #tpu.memory_space<hbm>>
      tpu.wait_dma2 semaphore(%run_scoped3A : memref<!tpu.dma_semaphore, #tpu.memory_space<semaphore_mem>>) src(%dma_wait3A_34 : memref<2000xi32, #tpu.memory_space<hbm>>) dst(%arg15 : memref<2000xi32, #tpu.memory_space<vmem>>)
      tpu.yield
    }) : () -> ()
    %add3A_11 = arith.constant 8000 : i32
    %add3A_12 = arith.addi %mul3A_2, %add3A_11 : i32
    "tpu.region"() ({
      %run_scoped3A = tpu.sem_alloc : memref<!tpu.dma_semaphore, #tpu.memory_space<semaphore_mem>>
      %dma_start3A = tpu.memref_slice %arg2[%add3A_12] : memref<320000xi32, #tpu.memory_space<hbm>> -> memref<2000xi32, #tpu.memory_space<hbm>>
      %dma_start3A_33 = tpu.memref_slice %arg2[%add3A_12] : memref<320000xi32, #tpu.memory_space<hbm>> -> memref<2000xi32, #tpu.memory_space<hbm>>
      tpu.enqueue_dma source(%dma_start3A_33 : memref<2000xi32, #tpu.memory_space<hbm>>) target(%arg16 : memref<2000xi32, #tpu.memory_space<vmem>>) target_semaphore(%run_scoped3A : memref<!tpu.dma_semaphore, #tpu.memory_space<semaphore_mem>>)
      %dma_wait3A = tpu.memref_slice %arg2[%add3A_12] : memref<320000xi32, #tpu.memory_space<hbm>> -> memref<2000xi32, #tpu.memory_space<hbm>>
      %dma_wait3A_34 = tpu.memref_slice %arg2[%add3A_12] : memref<320000xi32, #tpu.memory_space<hbm>> -> memref<2000xi32, #tpu.memory_space<hbm>>
      tpu.wait_dma2 semaphore(%run_scoped3A : memref<!tpu.dma_semaphore, #tpu.memory_space<semaphore_mem>>) src(%dma_wait3A_34 : memref<2000xi32, #tpu.memory_space<hbm>>) dst(%arg16 : memref<2000xi32, #tpu.memory_space<vmem>>)
      tpu.yield
    }) : () -> ()
    %mul3A_13 = arith.constant 624 : i32
    %mul3A_14 = arith.muli %arg1, %mul3A_13 : i32
    "tpu.region"() ({
      %run_scoped3A = tpu.sem_alloc : memref<!tpu.dma_semaphore, #tpu.memory_space<semaphore_mem>>
      %dma_start3A = arith.constant 0 : i32
      %dma_start3A_33 = tpu.memref_slice %arg8[%mul3A_14, %dma_start3A] : memref<10000x16xf32, #tpu.memory_space<vmem_shared>> -> memref<624x16xf32, #tpu.memory_space<vmem_shared>>
      tpu.enqueue_dma source(%arg5 : memref<624x16xf32, #tpu.memory_space<hbm>>) target(%dma_start3A_33 : memref<624x16xf32, #tpu.memory_space<vmem_shared>>) target_semaphore(%run_scoped3A : memref<!tpu.dma_semaphore, #tpu.memory_space<semaphore_mem>>)
      %dma_wait3A = arith.constant 0 : i32
      %dma_wait3A_34 = tpu.memref_slice %arg8[%mul3A_14, %dma_wait3A] : memref<10000x16xf32, #tpu.memory_space<vmem_shared>> -> memref<624x16xf32, #tpu.memory_space<vmem_shared>>
      tpu.wait_dma2 semaphore(%run_scoped3A : memref<!tpu.dma_semaphore, #tpu.memory_space<semaphore_mem>>) src(%arg5 : memref<624x16xf32, #tpu.memory_space<hbm>>) dst(%dma_wait3A_34 : memref<624x16xf32, #tpu.memory_space<vmem_shared>>)
      tpu.yield
    }) : () -> ()
    "tpu.region"() ({
      %run_scoped3A = tpu.sem_alloc : memref<!tpu.dma_semaphore, #tpu.memory_space<semaphore_mem>>
      %dma_start3A = arith.constant 0 : i32
      %dma_start3A_33 = tpu.memref_slice %arg9[%mul3A_14, %dma_start3A] : memref<10000x16xf32, #tpu.memory_space<vmem_shared>> -> memref<624x16xf32, #tpu.memory_space<vmem_shared>>
      tpu.enqueue_dma source(%arg5 : memref<624x16xf32, #tpu.memory_space<hbm>>) target(%dma_start3A_33 : memref<624x16xf32, #tpu.memory_space<vmem_shared>>) target_semaphore(%run_scoped3A : memref<!tpu.dma_semaphore, #tpu.memory_space<semaphore_mem>>)
      %dma_wait3A = arith.constant 0 : i32
      %dma_wait3A_34 = tpu.memref_slice %arg9[%mul3A_14, %dma_wait3A] : memref<10000x16xf32, #tpu.memory_space<vmem_shared>> -> memref<624x16xf32, #tpu.memory_space<vmem_shared>>
      tpu.wait_dma2 semaphore(%run_scoped3A : memref<!tpu.dma_semaphore, #tpu.memory_space<semaphore_mem>>) src(%arg5 : memref<624x16xf32, #tpu.memory_space<hbm>>) dst(%dma_wait3A_34 : memref<624x16xf32, #tpu.memory_space<vmem_shared>>)
      tpu.yield
    }) : () -> ()
    %eq3A = arith.constant 15 : i32
    %eq3A_15 = arith.cmpi eq, %arg1, %eq3A : i32
    %convert_element_type3A = arith.extui %eq3A_15 : i1 to i32
    %cond3A = arith.constant 0 : i32
    %cond3A_16 = arith.cmpi ne, %convert_element_type3A, %cond3A : i32
    scf.if %cond3A_16 {
      "tpu.region"() ({
        %run_scoped3A = tpu.sem_alloc : memref<!tpu.dma_semaphore, #tpu.memory_space<semaphore_mem>>
        %dma_start3A = arith.constant 9984 : i32
        %dma_start3A_33 = arith.constant 0 : i32
        %dma_start3A_34 = tpu.memref_slice %arg8[%dma_start3A, %dma_start3A_33] : memref<10000x16xf32, #tpu.memory_space<vmem_shared>> -> memref<16x16xf32, #tpu.memory_space<vmem_shared>>
        %dma_start3A_35 = arith.constant 0 : i32
        %dma_start3A_36 = arith.constant 0 : i32
        %dma_start3A_37 = tpu.memref_slice %arg5[%dma_start3A_35, %dma_start3A_36] : memref<624x16xf32, #tpu.memory_space<hbm>> -> memref<16x16xf32, #tpu.memory_space<hbm>>
        tpu.enqueue_dma source(%dma_start3A_37 : memref<16x16xf32, #tpu.memory_space<hbm>>) target(%dma_start3A_34 : memref<16x16xf32, #tpu.memory_space<vmem_shared>>) target_semaphore(%run_scoped3A : memref<!tpu.dma_semaphore, #tpu.memory_space<semaphore_mem>>)
        %dma_wait3A = arith.constant 9984 : i32
        %dma_wait3A_38 = arith.constant 0 : i32
        %dma_wait3A_39 = tpu.memref_slice %arg8[%dma_wait3A, %dma_wait3A_38] : memref<10000x16xf32, #tpu.memory_space<vmem_shared>> -> memref<16x16xf32, #tpu.memory_space<vmem_shared>>
        %dma_wait3A_40 = arith.constant 0 : i32
        %dma_wait3A_41 = arith.constant 0 : i32
        %dma_wait3A_42 = tpu.memref_slice %arg5[%dma_wait3A_40, %dma_wait3A_41] : memref<624x16xf32, #tpu.memory_space<hbm>> -> memref<16x16xf32, #tpu.memory_space<hbm>>
        tpu.wait_dma2 semaphore(%run_scoped3A : memref<!tpu.dma_semaphore, #tpu.memory_space<semaphore_mem>>) src(%dma_wait3A_42 : memref<16x16xf32, #tpu.memory_space<hbm>>) dst(%dma_wait3A_39 : memref<16x16xf32, #tpu.memory_space<vmem_shared>>)
        tpu.yield
      }) : () -> ()
      "tpu.region"() ({
        %run_scoped3A = tpu.sem_alloc : memref<!tpu.dma_semaphore, #tpu.memory_space<semaphore_mem>>
        %dma_start3A = arith.constant 9984 : i32
        %dma_start3A_33 = arith.constant 0 : i32
        %dma_start3A_34 = tpu.memref_slice %arg9[%dma_start3A, %dma_start3A_33] : memref<10000x16xf32, #tpu.memory_space<vmem_shared>> -> memref<16x16xf32, #tpu.memory_space<vmem_shared>>
        %dma_start3A_35 = arith.constant 0 : i32
        %dma_start3A_36 = arith.constant 0 : i32
        %dma_start3A_37 = tpu.memref_slice %arg5[%dma_start3A_35, %dma_start3A_36] : memref<624x16xf32, #tpu.memory_space<hbm>> -> memref<16x16xf32, #tpu.memory_space<hbm>>
        tpu.enqueue_dma source(%dma_start3A_37 : memref<16x16xf32, #tpu.memory_space<hbm>>) target(%dma_start3A_34 : memref<16x16xf32, #tpu.memory_space<vmem_shared>>) target_semaphore(%run_scoped3A : memref<!tpu.dma_semaphore, #tpu.memory_space<semaphore_mem>>)
        %dma_wait3A = arith.constant 9984 : i32
        %dma_wait3A_38 = arith.constant 0 : i32
        %dma_wait3A_39 = tpu.memref_slice %arg9[%dma_wait3A, %dma_wait3A_38] : memref<10000x16xf32, #tpu.memory_space<vmem_shared>> -> memref<16x16xf32, #tpu.memory_space<vmem_shared>>
        %dma_wait3A_40 = arith.constant 0 : i32
        %dma_wait3A_41 = arith.constant 0 : i32
        %dma_wait3A_42 = tpu.memref_slice %arg5[%dma_wait3A_40, %dma_wait3A_41] : memref<624x16xf32, #tpu.memory_space<hbm>> -> memref<16x16xf32, #tpu.memory_space<hbm>>
        tpu.wait_dma2 semaphore(%run_scoped3A : memref<!tpu.dma_semaphore, #tpu.memory_space<semaphore_mem>>) src(%dma_wait3A_42 : memref<16x16xf32, #tpu.memory_space<hbm>>) dst(%dma_wait3A_39 : memref<16x16xf32, #tpu.memory_space<vmem_shared>>)
        tpu.yield
      }) : () -> ()
    } else {
    }
    %barrier3A = arith.constant 0 : index
    tpu.barrier barrier_id(%barrier3A)
    %add3A_17 = arith.constant 0 : i32
    %add3A_18 = arith.addi %mul3A_2, %add3A_17 : i32
    "tpu.region"() ({
      %run_scoped3A = tpu.sem_alloc : memref<!tpu.dma_semaphore, #tpu.memory_space<semaphore_mem>>
      %dma_start3A = arith.constant 0 : i32
      %dma_start3A_33 = tpu.memref_slice %arg3[%add3A_18, %dma_start3A] : memref<320000x16xf32, #tpu.memory_space<hbm>> -> memref<2000x16xf32, #tpu.memory_space<hbm>>
      %dma_start3A_34 = arith.constant 0 : i32
      %dma_start3A_35 = tpu.memref_slice %arg3[%add3A_18, %dma_start3A_34] : memref<320000x16xf32, #tpu.memory_space<hbm>> -> memref<2000x16xf32, #tpu.memory_space<hbm>>
      tpu.enqueue_dma source(%dma_start3A_35 : memref<2000x16xf32, #tpu.memory_space<hbm>>) target(%arg10 : memref<2000x16xf32, #tpu.memory_space<vmem>>) target_semaphore(%run_scoped3A : memref<!tpu.dma_semaphore, #tpu.memory_space<semaphore_mem>>)
      %dma_wait3A = arith.constant 0 : i32
      %dma_wait3A_36 = tpu.memref_slice %arg3[%add3A_18, %dma_wait3A] : memref<320000x16xf32, #tpu.memory_space<hbm>> -> memref<2000x16xf32, #tpu.memory_space<hbm>>
      %dma_wait3A_37 = arith.constant 0 : i32
      %dma_wait3A_38 = tpu.memref_slice %arg3[%add3A_18, %dma_wait3A_37] : memref<320000x16xf32, #tpu.memory_space<hbm>> -> memref<2000x16xf32, #tpu.memory_space<hbm>>
      tpu.wait_dma2 semaphore(%run_scoped3A : memref<!tpu.dma_semaphore, #tpu.memory_space<semaphore_mem>>) src(%dma_wait3A_38 : memref<2000x16xf32, #tpu.memory_space<hbm>>) dst(%arg10 : memref<2000x16xf32, #tpu.memory_space<vmem>>)
      tpu.yield
    }) : () -> ()
    "tpu.region"() ({
      %run_scoped3A = tpu.sem_alloc : memref<!tpu.dma_semaphore, #tpu.memory_space<semaphore_mem>>
      %dma_start3A = arith.constant 0 : i32
      %dma_start3A_33 = arith.constant 0 : i32
      %dma_start3A_34 = tpu.memref_slice %arg8[%dma_start3A, %dma_start3A_33] : memref<10000x16xf32, #tpu.memory_space<vmem_shared>> -> memref<10000x16xf32, #tpu.memory_space<vmem_shared>>
      tpu.enqueue_indirect_dma source(%arg10 : memref<2000x16xf32, #tpu.memory_space<vmem>>) target(%dma_start3A_34 : memref<10000x16xf32, #tpu.memory_space<vmem_shared>>) offsets(%arg12 : memref<2000xi32, #tpu.memory_space<vmem>>) semaphore(%run_scoped3A : memref<!tpu.dma_semaphore, #tpu.memory_space<semaphore_mem>>) {add = true}
      %dma_wait3A = arith.constant 0 : i32
      %dma_wait3A_35 = arith.constant 0 : i32
      %dma_wait3A_36 = tpu.memref_slice %arg8[%dma_wait3A, %dma_wait3A_35] : memref<10000x16xf32, #tpu.memory_space<vmem_shared>> -> memref<10000x16xf32, #tpu.memory_space<vmem_shared>>
      tpu.wait_indirect_dma semaphore(%run_scoped3A : memref<!tpu.dma_semaphore, #tpu.memory_space<semaphore_mem>>) src(%arg10 : memref<2000x16xf32, #tpu.memory_space<vmem>>) dst(%dma_wait3A_36 : memref<10000x16xf32, #tpu.memory_space<vmem_shared>>)
      tpu.yield
    }) : () -> ()
    "tpu.region"() ({
      %run_scoped3A = tpu.sem_alloc : memref<!tpu.dma_semaphore, #tpu.memory_space<semaphore_mem>>
      %dma_start3A = arith.constant 0 : i32
      %dma_start3A_33 = arith.constant 0 : i32
      %dma_start3A_34 = tpu.memref_slice %arg9[%dma_start3A, %dma_start3A_33] : memref<10000x16xf32, #tpu.memory_space<vmem_shared>> -> memref<10000x16xf32, #tpu.memory_space<vmem_shared>>
      tpu.enqueue_indirect_dma source(%arg11 : memref<2000x16xf32, #tpu.memory_space<vmem>>) target(%dma_start3A_34 : memref<10000x16xf32, #tpu.memory_space<vmem_shared>>) offsets(%arg12 : memref<2000xi32, #tpu.memory_space<vmem>>) semaphore(%run_scoped3A : memref<!tpu.dma_semaphore, #tpu.memory_space<semaphore_mem>>) {add = true}
      %dma_wait3A = arith.constant 0 : i32
      %dma_wait3A_35 = arith.constant 0 : i32
      %dma_wait3A_36 = tpu.memref_slice %arg9[%dma_wait3A, %dma_wait3A_35] : memref<10000x16xf32, #tpu.memory_space<vmem_shared>> -> memref<10000x16xf32, #tpu.memory_space<vmem_shared>>
      tpu.wait_indirect_dma semaphore(%run_scoped3A : memref<!tpu.dma_semaphore, #tpu.memory_space<semaphore_mem>>) src(%arg11 : memref<2000x16xf32, #tpu.memory_space<vmem>>) dst(%dma_wait3A_36 : memref<10000x16xf32, #tpu.memory_space<vmem_shared>>)
      tpu.yield
    }) : () -> ()
    %add3A_19 = arith.constant 2000 : i32
    %add3A_20 = arith.addi %mul3A_2, %add3A_19 : i32
    "tpu.region"() ({
      %run_scoped3A = tpu.sem_alloc : memref<!tpu.dma_semaphore, #tpu.memory_space<semaphore_mem>>
      %dma_start3A = arith.constant 0 : i32
      %dma_start3A_33 = tpu.memref_slice %arg3[%add3A_20, %dma_start3A] : memref<320000x16xf32, #tpu.memory_space<hbm>> -> memref<2000x16xf32, #tpu.memory_space<hbm>>
      %dma_start3A_34 = arith.constant 0 : i32
      %dma_start3A_35 = tpu.memref_slice %arg3[%add3A_20, %dma_start3A_34] : memref<320000x16xf32, #tpu.memory_space<hbm>> -> memref<2000x16xf32, #tpu.memory_space<hbm>>
      tpu.enqueue_dma source(%dma_start3A_35 : memref<2000x16xf32, #tpu.memory_space<hbm>>) target(%arg10 : memref<2000x16xf32, #tpu.memory_space<vmem>>) target_semaphore(%run_scoped3A : memref<!tpu.dma_semaphore, #tpu.memory_space<semaphore_mem>>)
      %dma_wait3A = arith.constant 0 : i32
      %dma_wait3A_36 = tpu.memref_slice %arg3[%add3A_20, %dma_wait3A] : memref<320000x16xf32, #tpu.memory_space<hbm>> -> memref<2000x16xf32, #tpu.memory_space<hbm>>
      %dma_wait3A_37 = arith.constant 0 : i32
      %dma_wait3A_38 = tpu.memref_slice %arg3[%add3A_20, %dma_wait3A_37] : memref<320000x16xf32, #tpu.memory_space<hbm>> -> memref<2000x16xf32, #tpu.memory_space<hbm>>
      tpu.wait_dma2 semaphore(%run_scoped3A : memref<!tpu.dma_semaphore, #tpu.memory_space<semaphore_mem>>) src(%dma_wait3A_38 : memref<2000x16xf32, #tpu.memory_space<hbm>>) dst(%arg10 : memref<2000x16xf32, #tpu.memory_space<vmem>>)
      tpu.yield
    }) : () -> ()
    "tpu.region"() ({
      %run_scoped3A = tpu.sem_alloc : memref<!tpu.dma_semaphore, #tpu.memory_space<semaphore_mem>>
      %dma_start3A = arith.constant 0 : i32
      %dma_start3A_33 = arith.constant 0 : i32
      %dma_start3A_34 = tpu.memref_slice %arg8[%dma_start3A, %dma_start3A_33] : memref<10000x16xf32, #tpu.memory_space<vmem_shared>> -> memref<10000x16xf32, #tpu.memory_space<vmem_shared>>
      tpu.enqueue_indirect_dma source(%arg10 : memref<2000x16xf32, #tpu.memory_space<vmem>>) target(%dma_start3A_34 : memref<10000x16xf32, #tpu.memory_space<vmem_shared>>) offsets(%arg13 : memref<2000xi32, #tpu.memory_space<vmem>>) semaphore(%run_scoped3A : memref<!tpu.dma_semaphore, #tpu.memory_space<semaphore_mem>>) {add = true}
      %dma_wait3A = arith.constant 0 : i32
      %dma_wait3A_35 = arith.constant 0 : i32
      %dma_wait3A_36 = tpu.memref_slice %arg8[%dma_wait3A, %dma_wait3A_35] : memref<10000x16xf32, #tpu.memory_space<vmem_shared>> -> memref<10000x16xf32, #tpu.memory_space<vmem_shared>>
      tpu.wait_indirect_dma semaphore(%run_scoped3A : memref<!tpu.dma_semaphore, #tpu.memory_space<semaphore_mem>>) src(%arg10 : memref<2000x16xf32, #tpu.memory_space<vmem>>) dst(%dma_wait3A_36 : memref<10000x16xf32, #tpu.memory_space<vmem_shared>>)
      tpu.yield
    }) : () -> ()
    "tpu.region"() ({
      %run_scoped3A = tpu.sem_alloc : memref<!tpu.dma_semaphore, #tpu.memory_space<semaphore_mem>>
      %dma_start3A = arith.constant 0 : i32
      %dma_start3A_33 = arith.constant 0 : i32
      %dma_start3A_34 = tpu.memref_slice %arg9[%dma_start3A, %dma_start3A_33] : memref<10000x16xf32, #tpu.memory_space<vmem_shared>> -> memref<10000x16xf32, #tpu.memory_space<vmem_shared>>
      tpu.enqueue_indirect_dma source(%arg11 : memref<2000x16xf32, #tpu.memory_space<vmem>>) target(%dma_start3A_34 : memref<10000x16xf32, #tpu.memory_space<vmem_shared>>) offsets(%arg13 : memref<2000xi32, #tpu.memory_space<vmem>>) semaphore(%run_scoped3A : memref<!tpu.dma_semaphore, #tpu.memory_space<semaphore_mem>>) {add = true}
      %dma_wait3A = arith.constant 0 : i32
      %dma_wait3A_35 = arith.constant 0 : i32
      %dma_wait3A_36 = tpu.memref_slice %arg9[%dma_wait3A, %dma_wait3A_35] : memref<10000x16xf32, #tpu.memory_space<vmem_shared>> -> memref<10000x16xf32, #tpu.memory_space<vmem_shared>>
      tpu.wait_indirect_dma semaphore(%run_scoped3A : memref<!tpu.dma_semaphore, #tpu.memory_space<semaphore_mem>>) src(%arg11 : memref<2000x16xf32, #tpu.memory_space<vmem>>) dst(%dma_wait3A_36 : memref<10000x16xf32, #tpu.memory_space<vmem_shared>>)
      tpu.yield
    }) : () -> ()
    %add3A_21 = arith.constant 4000 : i32
    %add3A_22 = arith.addi %mul3A_2, %add3A_21 : i32
    "tpu.region"() ({
      %run_scoped3A = tpu.sem_alloc : memref<!tpu.dma_semaphore, #tpu.memory_space<semaphore_mem>>
      %dma_start3A = arith.constant 0 : i32
      %dma_start3A_33 = tpu.memref_slice %arg3[%add3A_22, %dma_start3A] : memref<320000x16xf32, #tpu.memory_space<hbm>> -> memref<2000x16xf32, #tpu.memory_space<hbm>>
      %dma_start3A_34 = arith.constant 0 : i32
      %dma_start3A_35 = tpu.memref_slice %arg3[%add3A_22, %dma_start3A_34] : memref<320000x16xf32, #tpu.memory_space<hbm>> -> memref<2000x16xf32, #tpu.memory_space<hbm>>
      tpu.enqueue_dma source(%dma_start3A_35 : memref<2000x16xf32, #tpu.memory_space<hbm>>) target(%arg10 : memref<2000x16xf32, #tpu.memory_space<vmem>>) target_semaphore(%run_scoped3A : memref<!tpu.dma_semaphore, #tpu.memory_space<semaphore_mem>>)
      %dma_wait3A = arith.constant 0 : i32
      %dma_wait3A_36 = tpu.memref_slice %arg3[%add3A_22, %dma_wait3A] : memref<320000x16xf32, #tpu.memory_space<hbm>> -> memref<2000x16xf32, #tpu.memory_space<hbm>>
      %dma_wait3A_37 = arith.constant 0 : i32
      %dma_wait3A_38 = tpu.memref_slice %arg3[%add3A_22, %dma_wait3A_37] : memref<320000x16xf32, #tpu.memory_space<hbm>> -> memref<2000x16xf32, #tpu.memory_space<hbm>>
      tpu.wait_dma2 semaphore(%run_scoped3A : memref<!tpu.dma_semaphore, #tpu.memory_space<semaphore_mem>>) src(%dma_wait3A_38 : memref<2000x16xf32, #tpu.memory_space<hbm>>) dst(%arg10 : memref<2000x16xf32, #tpu.memory_space<vmem>>)
      tpu.yield
    }) : () -> ()
    "tpu.region"() ({
      %run_scoped3A = tpu.sem_alloc : memref<!tpu.dma_semaphore, #tpu.memory_space<semaphore_mem>>
      %dma_start3A = arith.constant 0 : i32
      %dma_start3A_33 = arith.constant 0 : i32
      %dma_start3A_34 = tpu.memref_slice %arg8[%dma_start3A, %dma_start3A_33] : memref<10000x16xf32, #tpu.memory_space<vmem_shared>> -> memref<10000x16xf32, #tpu.memory_space<vmem_shared>>
      tpu.enqueue_indirect_dma source(%arg10 : memref<2000x16xf32, #tpu.memory_space<vmem>>) target(%dma_start3A_34 : memref<10000x16xf32, #tpu.memory_space<vmem_shared>>) offsets(%arg14 : memref<2000xi32, #tpu.memory_space<vmem>>) semaphore(%run_scoped3A : memref<!tpu.dma_semaphore, #tpu.memory_space<semaphore_mem>>) {add = true}
      %dma_wait3A = arith.constant 0 : i32
      %dma_wait3A_35 = arith.constant 0 : i32
      %dma_wait3A_36 = tpu.memref_slice %arg8[%dma_wait3A, %dma_wait3A_35] : memref<10000x16xf32, #tpu.memory_space<vmem_shared>> -> memref<10000x16xf32, #tpu.memory_space<vmem_shared>>
      tpu.wait_indirect_dma semaphore(%run_scoped3A : memref<!tpu.dma_semaphore, #tpu.memory_space<semaphore_mem>>) src(%arg10 : memref<2000x16xf32, #tpu.memory_space<vmem>>) dst(%dma_wait3A_36 : memref<10000x16xf32, #tpu.memory_space<vmem_shared>>)
      tpu.yield
    }) : () -> ()
    "tpu.region"() ({
      %run_scoped3A = tpu.sem_alloc : memref<!tpu.dma_semaphore, #tpu.memory_space<semaphore_mem>>
      %dma_start3A = arith.constant 0 : i32
      %dma_start3A_33 = arith.constant 0 : i32
      %dma_start3A_34 = tpu.memref_slice %arg9[%dma_start3A, %dma_start3A_33] : memref<10000x16xf32, #tpu.memory_space<vmem_shared>> -> memref<10000x16xf32, #tpu.memory_space<vmem_shared>>
      tpu.enqueue_indirect_dma source(%arg11 : memref<2000x16xf32, #tpu.memory_space<vmem>>) target(%dma_start3A_34 : memref<10000x16xf32, #tpu.memory_space<vmem_shared>>) offsets(%arg14 : memref<2000xi32, #tpu.memory_space<vmem>>) semaphore(%run_scoped3A : memref<!tpu.dma_semaphore, #tpu.memory_space<semaphore_mem>>) {add = true}
      %dma_wait3A = arith.constant 0 : i32
      %dma_wait3A_35 = arith.constant 0 : i32
      %dma_wait3A_36 = tpu.memref_slice %arg9[%dma_wait3A, %dma_wait3A_35] : memref<10000x16xf32, #tpu.memory_space<vmem_shared>> -> memref<10000x16xf32, #tpu.memory_space<vmem_shared>>
      tpu.wait_indirect_dma semaphore(%run_scoped3A : memref<!tpu.dma_semaphore, #tpu.memory_space<semaphore_mem>>) src(%arg11 : memref<2000x16xf32, #tpu.memory_space<vmem>>) dst(%dma_wait3A_36 : memref<10000x16xf32, #tpu.memory_space<vmem_shared>>)
      tpu.yield
    }) : () -> ()
    %add3A_23 = arith.constant 6000 : i32
    %add3A_24 = arith.addi %mul3A_2, %add3A_23 : i32
    "tpu.region"() ({
      %run_scoped3A = tpu.sem_alloc : memref<!tpu.dma_semaphore, #tpu.memory_space<semaphore_mem>>
      %dma_start3A = arith.constant 0 : i32
      %dma_start3A_33 = tpu.memref_slice %arg3[%add3A_24, %dma_start3A] : memref<320000x16xf32, #tpu.memory_space<hbm>> -> memref<2000x16xf32, #tpu.memory_space<hbm>>
      %dma_start3A_34 = arith.constant 0 : i32
      %dma_start3A_35 = tpu.memref_slice %arg3[%add3A_24, %dma_start3A_34] : memref<320000x16xf32, #tpu.memory_space<hbm>> -> memref<2000x16xf32, #tpu.memory_space<hbm>>
      tpu.enqueue_dma source(%dma_start3A_35 : memref<2000x16xf32, #tpu.memory_space<hbm>>) target(%arg10 : memref<2000x16xf32, #tpu.memory_space<vmem>>) target_semaphore(%run_scoped3A : memref<!tpu.dma_semaphore, #tpu.memory_space<semaphore_mem>>)
      %dma_wait3A = arith.constant 0 : i32
      %dma_wait3A_36 = tpu.memref_slice %arg3[%add3A_24, %dma_wait3A] : memref<320000x16xf32, #tpu.memory_space<hbm>> -> memref<2000x16xf32, #tpu.memory_space<hbm>>
      %dma_wait3A_37 = arith.constant 0 : i32
      %dma_wait3A_38 = tpu.memref_slice %arg3[%add3A_24, %dma_wait3A_37] : memref<320000x16xf32, #tpu.memory_space<hbm>> -> memref<2000x16xf32, #tpu.memory_space<hbm>>
      tpu.wait_dma2 semaphore(%run_scoped3A : memref<!tpu.dma_semaphore, #tpu.memory_space<semaphore_mem>>) src(%dma_wait3A_38 : memref<2000x16xf32, #tpu.memory_space<hbm>>) dst(%arg10 : memref<2000x16xf32, #tpu.memory_space<vmem>>)
      tpu.yield
    }) : () -> ()
    "tpu.region"() ({
      %run_scoped3A = tpu.sem_alloc : memref<!tpu.dma_semaphore, #tpu.memory_space<semaphore_mem>>
      %dma_start3A = arith.constant 0 : i32
      %dma_start3A_33 = arith.constant 0 : i32
      %dma_start3A_34 = tpu.memref_slice %arg8[%dma_start3A, %dma_start3A_33] : memref<10000x16xf32, #tpu.memory_space<vmem_shared>> -> memref<10000x16xf32, #tpu.memory_space<vmem_shared>>
      tpu.enqueue_indirect_dma source(%arg10 : memref<2000x16xf32, #tpu.memory_space<vmem>>) target(%dma_start3A_34 : memref<10000x16xf32, #tpu.memory_space<vmem_shared>>) offsets(%arg15 : memref<2000xi32, #tpu.memory_space<vmem>>) semaphore(%run_scoped3A : memref<!tpu.dma_semaphore, #tpu.memory_space<semaphore_mem>>) {add = true}
      %dma_wait3A = arith.constant 0 : i32
      %dma_wait3A_35 = arith.constant 0 : i32
      %dma_wait3A_36 = tpu.memref_slice %arg8[%dma_wait3A, %dma_wait3A_35] : memref<10000x16xf32, #tpu.memory_space<vmem_shared>> -> memref<10000x16xf32, #tpu.memory_space<vmem_shared>>
      tpu.wait_indirect_dma semaphore(%run_scoped3A : memref<!tpu.dma_semaphore, #tpu.memory_space<semaphore_mem>>) src(%arg10 : memref<2000x16xf32, #tpu.memory_space<vmem>>) dst(%dma_wait3A_36 : memref<10000x16xf32, #tpu.memory_space<vmem_shared>>)
      tpu.yield
    }) : () -> ()
    "tpu.region"() ({
      %run_scoped3A = tpu.sem_alloc : memref<!tpu.dma_semaphore, #tpu.memory_space<semaphore_mem>>
      %dma_start3A = arith.constant 0 : i32
      %dma_start3A_33 = arith.constant 0 : i32
      %dma_start3A_34 = tpu.memref_slice %arg9[%dma_start3A, %dma_start3A_33] : memref<10000x16xf32, #tpu.memory_space<vmem_shared>> -> memref<10000x16xf32, #tpu.memory_space<vmem_shared>>
      tpu.enqueue_indirect_dma source(%arg11 : memref<2000x16xf32, #tpu.memory_space<vmem>>) target(%dma_start3A_34 : memref<10000x16xf32, #tpu.memory_space<vmem_shared>>) offsets(%arg15 : memref<2000xi32, #tpu.memory_space<vmem>>) semaphore(%run_scoped3A : memref<!tpu.dma_semaphore, #tpu.memory_space<semaphore_mem>>) {add = true}
      %dma_wait3A = arith.constant 0 : i32
      %dma_wait3A_35 = arith.constant 0 : i32
      %dma_wait3A_36 = tpu.memref_slice %arg9[%dma_wait3A, %dma_wait3A_35] : memref<10000x16xf32, #tpu.memory_space<vmem_shared>> -> memref<10000x16xf32, #tpu.memory_space<vmem_shared>>
      tpu.wait_indirect_dma semaphore(%run_scoped3A : memref<!tpu.dma_semaphore, #tpu.memory_space<semaphore_mem>>) src(%arg11 : memref<2000x16xf32, #tpu.memory_space<vmem>>) dst(%dma_wait3A_36 : memref<10000x16xf32, #tpu.memory_space<vmem_shared>>)
      tpu.yield
    }) : () -> ()
    %add3A_25 = arith.constant 8000 : i32
    %add3A_26 = arith.addi %mul3A_2, %add3A_25 : i32
    "tpu.region"() ({
      %run_scoped3A = tpu.sem_alloc : memref<!tpu.dma_semaphore, #tpu.memory_space<semaphore_mem>>
      %dma_start3A = arith.constant 0 : i32
      %dma_start3A_33 = tpu.memref_slice %arg3[%add3A_26, %dma_start3A] : memref<320000x16xf32, #tpu.memory_space<hbm>> -> memref<2000x16xf32, #tpu.memory_space<hbm>>
      %dma_start3A_34 = arith.constant 0 : i32
      %dma_start3A_35 = tpu.memref_slice %arg3[%add3A_26, %dma_start3A_34] : memref<320000x16xf32, #tpu.memory_space<hbm>> -> memref<2000x16xf32, #tpu.memory_space<hbm>>
      tpu.enqueue_dma source(%dma_start3A_35 : memref<2000x16xf32, #tpu.memory_space<hbm>>) target(%arg10 : memref<2000x16xf32, #tpu.memory_space<vmem>>) target_semaphore(%run_scoped3A : memref<!tpu.dma_semaphore, #tpu.memory_space<semaphore_mem>>)
      %dma_wait3A = arith.constant 0 : i32
      %dma_wait3A_36 = tpu.memref_slice %arg3[%add3A_26, %dma_wait3A] : memref<320000x16xf32, #tpu.memory_space<hbm>> -> memref<2000x16xf32, #tpu.memory_space<hbm>>
      %dma_wait3A_37 = arith.constant 0 : i32
      %dma_wait3A_38 = tpu.memref_slice %arg3[%add3A_26, %dma_wait3A_37] : memref<320000x16xf32, #tpu.memory_space<hbm>> -> memref<2000x16xf32, #tpu.memory_space<hbm>>
      tpu.wait_dma2 semaphore(%run_scoped3A : memref<!tpu.dma_semaphore, #tpu.memory_space<semaphore_mem>>) src(%dma_wait3A_38 : memref<2000x16xf32, #tpu.memory_space<hbm>>) dst(%arg10 : memref<2000x16xf32, #tpu.memory_space<vmem>>)
      tpu.yield
    }) : () -> ()
    "tpu.region"() ({
      %run_scoped3A = tpu.sem_alloc : memref<!tpu.dma_semaphore, #tpu.memory_space<semaphore_mem>>
      %dma_start3A = arith.constant 0 : i32
      %dma_start3A_33 = arith.constant 0 : i32
      %dma_start3A_34 = tpu.memref_slice %arg8[%dma_start3A, %dma_start3A_33] : memref<10000x16xf32, #tpu.memory_space<vmem_shared>> -> memref<10000x16xf32, #tpu.memory_space<vmem_shared>>
      tpu.enqueue_indirect_dma source(%arg10 : memref<2000x16xf32, #tpu.memory_space<vmem>>) target(%dma_start3A_34 : memref<10000x16xf32, #tpu.memory_space<vmem_shared>>) offsets(%arg16 : memref<2000xi32, #tpu.memory_space<vmem>>) semaphore(%run_scoped3A : memref<!tpu.dma_semaphore, #tpu.memory_space<semaphore_mem>>) {add = true}
      %dma_wait3A = arith.constant 0 : i32
      %dma_wait3A_35 = arith.constant 0 : i32
      %dma_wait3A_36 = tpu.memref_slice %arg8[%dma_wait3A, %dma_wait3A_35] : memref<10000x16xf32, #tpu.memory_space<vmem_shared>> -> memref<10000x16xf32, #tpu.memory_space<vmem_shared>>
      tpu.wait_indirect_dma semaphore(%run_scoped3A : memref<!tpu.dma_semaphore, #tpu.memory_space<semaphore_mem>>) src(%arg10 : memref<2000x16xf32, #tpu.memory_space<vmem>>) dst(%dma_wait3A_36 : memref<10000x16xf32, #tpu.memory_space<vmem_shared>>)
      tpu.yield
    }) : () -> ()
    "tpu.region"() ({
      %run_scoped3A = tpu.sem_alloc : memref<!tpu.dma_semaphore, #tpu.memory_space<semaphore_mem>>
      %dma_start3A = arith.constant 0 : i32
      %dma_start3A_33 = arith.constant 0 : i32
      %dma_start3A_34 = tpu.memref_slice %arg9[%dma_start3A, %dma_start3A_33] : memref<10000x16xf32, #tpu.memory_space<vmem_shared>> -> memref<10000x16xf32, #tpu.memory_space<vmem_shared>>
      tpu.enqueue_indirect_dma source(%arg11 : memref<2000x16xf32, #tpu.memory_space<vmem>>) target(%dma_start3A_34 : memref<10000x16xf32, #tpu.memory_space<vmem_shared>>) offsets(%arg16 : memref<2000xi32, #tpu.memory_space<vmem>>) semaphore(%run_scoped3A : memref<!tpu.dma_semaphore, #tpu.memory_space<semaphore_mem>>) {add = true}
      %dma_wait3A = arith.constant 0 : i32
      %dma_wait3A_35 = arith.constant 0 : i32
      %dma_wait3A_36 = tpu.memref_slice %arg9[%dma_wait3A, %dma_wait3A_35] : memref<10000x16xf32, #tpu.memory_space<vmem_shared>> -> memref<10000x16xf32, #tpu.memory_space<vmem_shared>>
      tpu.wait_indirect_dma semaphore(%run_scoped3A : memref<!tpu.dma_semaphore, #tpu.memory_space<semaphore_mem>>) src(%arg11 : memref<2000x16xf32, #tpu.memory_space<vmem>>) dst(%dma_wait3A_36 : memref<10000x16xf32, #tpu.memory_space<vmem_shared>>)
      tpu.yield
    }) : () -> ()
    %barrier3A_27 = arith.constant 0 : index
    tpu.barrier barrier_id(%barrier3A_27)
    "tpu.region"() ({
      %run_scoped3A = tpu.sem_alloc : memref<!tpu.dma_semaphore, #tpu.memory_space<semaphore_mem>>
      %dma_start3A = arith.constant 0 : i32
      %dma_start3A_33 = tpu.memref_slice %arg6[%arg0, %mul3A_14, %dma_start3A] : memref<2x10000x16xf32, #tpu.memory_space<hbm>> -> memref<1x624x16xf32, #tpu.memory_space<hbm>>
      %dma_start3A_34 = tpu.memref_squeeze %dma_start3A_33 : memref<1x624x16xf32, #tpu.memory_space<hbm>> -> memref<624x16xf32, #tpu.memory_space<hbm>>
      %dma_start3A_35 = arith.constant 0 : i32
      %dma_start3A_36 = tpu.memref_slice %arg8[%mul3A_14, %dma_start3A_35] : memref<10000x16xf32, #tpu.memory_space<vmem_shared>> -> memref<624x16xf32, #tpu.memory_space<vmem_shared>>
      tpu.enqueue_dma source(%dma_start3A_36 : memref<624x16xf32, #tpu.memory_space<vmem_shared>>) target(%dma_start3A_34 : memref<624x16xf32, #tpu.memory_space<hbm>>) target_semaphore(%run_scoped3A : memref<!tpu.dma_semaphore, #tpu.memory_space<semaphore_mem>>)
      %dma_wait3A = arith.constant 0 : i32
      %dma_wait3A_37 = tpu.memref_slice %arg6[%arg0, %mul3A_14, %dma_wait3A] : memref<2x10000x16xf32, #tpu.memory_space<hbm>> -> memref<1x624x16xf32, #tpu.memory_space<hbm>>
      %dma_wait3A_38 = tpu.memref_squeeze %dma_wait3A_37 : memref<1x624x16xf32, #tpu.memory_space<hbm>> -> memref<624x16xf32, #tpu.memory_space<hbm>>
      %dma_wait3A_39 = arith.constant 0 : i32
      %dma_wait3A_40 = tpu.memref_slice %arg8[%mul3A_14, %dma_wait3A_39] : memref<10000x16xf32, #tpu.memory_space<vmem_shared>> -> memref<624x16xf32, #tpu.memory_space<vmem_shared>>
      tpu.wait_dma2 semaphore(%run_scoped3A : memref<!tpu.dma_semaphore, #tpu.memory_space<semaphore_mem>>) src(%dma_wait3A_40 : memref<624x16xf32, #tpu.memory_space<vmem_shared>>) dst(%dma_wait3A_38 : memref<624x16xf32, #tpu.memory_space<hbm>>)
      tpu.yield
    }) : () -> ()
    "tpu.region"() ({
      %run_scoped3A = tpu.sem_alloc : memref<!tpu.dma_semaphore, #tpu.memory_space<semaphore_mem>>
      %dma_start3A = arith.constant 0 : i32
      %dma_start3A_33 = tpu.memref_slice %arg7[%arg0, %mul3A_14, %dma_start3A] : memref<2x10000x16xf32, #tpu.memory_space<hbm>> -> memref<1x624x16xf32, #tpu.memory_space<hbm>>
      %dma_start3A_34 = tpu.memref_squeeze %dma_start3A_33 : memref<1x624x16xf32, #tpu.memory_space<hbm>> -> memref<624x16xf32, #tpu.memory_space<hbm>>
      %dma_start3A_35 = arith.constant 0 : i32
      %dma_start3A_36 = tpu.memref_slice %arg9[%mul3A_14, %dma_start3A_35] : memref<10000x16xf32, #tpu.memory_space<vmem_shared>> -> memref<624x16xf32, #tpu.memory_space<vmem_shared>>
      tpu.enqueue_dma source(%dma_start3A_36 : memref<624x16xf32, #tpu.memory_space<vmem_shared>>) target(%dma_start3A_34 : memref<624x16xf32, #tpu.memory_space<hbm>>) target_semaphore(%run_scoped3A : memref<!tpu.dma_semaphore, #tpu.memory_space<semaphore_mem>>)
      %dma_wait3A = arith.constant 0 : i32
      %dma_wait3A_37 = tpu.memref_slice %arg7[%arg0, %mul3A_14, %dma_wait3A] : memref<2x10000x16xf32, #tpu.memory_space<hbm>> -> memref<1x624x16xf32, #tpu.memory_space<hbm>>
      %dma_wait3A_38 = tpu.memref_squeeze %dma_wait3A_37 : memref<1x624x16xf32, #tpu.memory_space<hbm>> -> memref<624x16xf32, #tpu.memory_space<hbm>>
      %dma_wait3A_39 = arith.constant 0 : i32
      %dma_wait3A_40 = tpu.memref_slice %arg9[%mul3A_14, %dma_wait3A_39] : memref<10000x16xf32, #tpu.memory_space<vmem_shared>> -> memref<624x16xf32, #tpu.memory_space<vmem_shared>>
      tpu.wait_dma2 semaphore(%run_scoped3A : memref<!tpu.dma_semaphore, #tpu.memory_space<semaphore_mem>>) src(%dma_wait3A_40 : memref<624x16xf32, #tpu.memory_space<vmem_shared>>) dst(%dma_wait3A_38 : memref<624x16xf32, #tpu.memory_space<hbm>>)
      tpu.yield
    }) : () -> ()
    %eq3A_28 = arith.constant 15 : i32
    %eq3A_29 = arith.cmpi eq, %arg1, %eq3A_28 : i32
    %convert_element_type3A_30 = arith.extui %eq3A_29 : i1 to i32
    %cond3A_31 = arith.constant 0 : i32
    %cond3A_32 = arith.cmpi ne, %convert_element_type3A_30, %cond3A_31 : i32
    scf.if %cond3A_32 {
      "tpu.region"() ({
        %run_scoped3A = tpu.sem_alloc : memref<!tpu.dma_semaphore, #tpu.memory_space<semaphore_mem>>
        %dma_start3A = arith.constant 9984 : i32
        %dma_start3A_33 = arith.constant 0 : i32
        %dma_start3A_34 = tpu.memref_slice %arg6[%arg0, %dma_start3A, %dma_start3A_33] : memref<2x10000x16xf32, #tpu.memory_space<hbm>> -> memref<1x16x16xf32, #tpu.memory_space<hbm>>
        %dma_start3A_35 = tpu.memref_squeeze %dma_start3A_34 : memref<1x16x16xf32, #tpu.memory_space<hbm>> -> memref<16x16xf32, #tpu.memory_space<hbm>>
        %dma_start3A_36 = arith.constant 9984 : i32
        %dma_start3A_37 = arith.constant 0 : i32
        %dma_start3A_38 = tpu.memref_slice %arg8[%dma_start3A_36, %dma_start3A_37] : memref<10000x16xf32, #tpu.memory_space<vmem_shared>> -> memref<16x16xf32, #tpu.memory_space<vmem_shared>>
        tpu.enqueue_dma source(%dma_start3A_38 : memref<16x16xf32, #tpu.memory_space<vmem_shared>>) target(%dma_start3A_35 : memref<16x16xf32, #tpu.memory_space<hbm>>) target_semaphore(%run_scoped3A : memref<!tpu.dma_semaphore, #tpu.memory_space<semaphore_mem>>)
        %dma_wait3A = arith.constant 9984 : i32
        %dma_wait3A_39 = arith.constant 0 : i32
        %dma_wait3A_40 = tpu.memref_slice %arg6[%arg0, %dma_wait3A, %dma_wait3A_39] : memref<2x10000x16xf32, #tpu.memory_space<hbm>> -> memref<1x16x16xf32, #tpu.memory_space<hbm>>
        %dma_wait3A_41 = tpu.memref_squeeze %dma_wait3A_40 : memref<1x16x16xf32, #tpu.memory_space<hbm>> -> memref<16x16xf32, #tpu.memory_space<hbm>>
        %dma_wait3A_42 = arith.constant 9984 : i32
        %dma_wait3A_43 = arith.constant 0 : i32
        %dma_wait3A_44 = tpu.memref_slice %arg8[%dma_wait3A_42, %dma_wait3A_43] : memref<10000x16xf32, #tpu.memory_space<vmem_shared>> -> memref<16x16xf32, #tpu.memory_space<vmem_shared>>
        tpu.wait_dma2 semaphore(%run_scoped3A : memref<!tpu.dma_semaphore, #tpu.memory_space<semaphore_mem>>) src(%dma_wait3A_44 : memref<16x16xf32, #tpu.memory_space<vmem_shared>>) dst(%dma_wait3A_41 : memref<16x16xf32, #tpu.memory_space<hbm>>)
        tpu.yield
      }) : () -> ()
      "tpu.region"() ({
        %run_scoped3A = tpu.sem_alloc : memref<!tpu.dma_semaphore, #tpu.memory_space<semaphore_mem>>
        %dma_start3A = arith.constant 9984 : i32
        %dma_start3A_33 = arith.constant 0 : i32
        %dma_start3A_34 = tpu.memref_slice %arg7[%arg0, %dma_start3A, %dma_start3A_33] : memref<2x10000x16xf32, #tpu.memory_space<hbm>> -> memref<1x16x16xf32, #tpu.memory_space<hbm>>
        %dma_start3A_35 = tpu.memref_squeeze %dma_start3A_34 : memref<1x16x16xf32, #tpu.memory_space<hbm>> -> memref<16x16xf32, #tpu.memory_space<hbm>>
        %dma_start3A_36 = arith.constant 9984 : i32
        %dma_start3A_37 = arith.constant 0 : i32
        %dma_start3A_38 = tpu.memref_slice %arg9[%dma_start3A_36, %dma_start3A_37] : memref<10000x16xf32, #tpu.memory_space<vmem_shared>> -> memref<16x16xf32, #tpu.memory_space<vmem_shared>>
        tpu.enqueue_dma source(%dma_start3A_38 : memref<16x16xf32, #tpu.memory_space<vmem_shared>>) target(%dma_start3A_35 : memref<16x16xf32, #tpu.memory_space<hbm>>) target_semaphore(%run_scoped3A : memref<!tpu.dma_semaphore, #tpu.memory_space<semaphore_mem>>)
        %dma_wait3A = arith.constant 9984 : i32
        %dma_wait3A_39 = arith.constant 0 : i32
        %dma_wait3A_40 = tpu.memref_slice %arg7[%arg0, %dma_wait3A, %dma_wait3A_39] : memref<2x10000x16xf32, #tpu.memory_space<hbm>> -> memref<1x16x16xf32, #tpu.memory_space<hbm>>
        %dma_wait3A_41 = tpu.memref_squeeze %dma_wait3A_40 : memref<1x16x16xf32, #tpu.memory_space<hbm>> -> memref<16x16xf32, #tpu.memory_space<hbm>>
        %dma_wait3A_42 = arith.constant 9984 : i32
        %dma_wait3A_43 = arith.constant 0 : i32
        %dma_wait3A_44 = tpu.memref_slice %arg9[%dma_wait3A_42, %dma_wait3A_43] : memref<10000x16xf32, #tpu.memory_space<vmem_shared>> -> memref<16x16xf32, #tpu.memory_space<vmem_shared>>
        tpu.wait_dma2 semaphore(%run_scoped3A : memref<!tpu.dma_semaphore, #tpu.memory_space<semaphore_mem>>) src(%dma_wait3A_44 : memref<16x16xf32, #tpu.memory_space<vmem_shared>>) dst(%dma_wait3A_41 : memref<16x16xf32, #tpu.memory_space<hbm>>)
        tpu.yield
      }) : () -> ()
    } else {
    }
    return
  }
}

</mosaic_0001>

<sc_bundles>
// kernel: sc_scatter_mean.3.cloned.1.call-start
scs
__scs_entry_jumppad:
0x0: {  	(pc) =	sbr.rel $0x88, $3  }
0x1: {  	(tag) =	ssettag $0x0;
	lr =	simm.s32 $0x1  }
0x2: {  	[smem:$0x3F9D] =	sst lr;
	_ =	strace $0xD0000000  }
0x3: {  	_ = 	snop  }
0x4: {  	_ = 	snop  }
0x5: {  	_ = 	snop  }
0x6: {  	_ = 	snop  }
0x7: {  	_ = 	snop  }
__scs_overlays_trampoline_lowered:
0x8: {  	[smem:$0x3FAC] =	sst s0  }
0x9: {  	[smem:$0x3FAD] =	sst s1  }
0xa: {  	[smem:$0x3FAE] =	sst s2  }
0xb: {  	[smem:$0x3FAF] =	sst s3  }
0xc: {  	[smem:$0x3FB0] =	sst s4  }
0xd: {  	[smem:$0x3FB1] =	sst s5  }
0xe: {  	[smem:$0x3FB2] =	sst s6  }
0xf: {  	[smem:$0x3FB3] =	sst s7  }
0x10: {  	[smem:$0x3FB4] =	sst s8  }
0x11: {  	[smem:$0x3FB5] =	sst s9;
	s0 =	simm.s32 @!p0 $0x0  }
0x12: {  	s1 =	sld [smem:$0x3F9B];
	s0 =	simm.s32 @p0 $0x1  }
0x13: {  	[smem:$0x3FB6] =	sst s0;
	s0 =	simm.s32 @!p1 $0x0  }
0x14: {  	s2 =	sld [smem:$0x3F9A];
	s0 =	simm.s32 @p1 $0x1  }
0x15: {  	[smem:$0x3FB7] =	sst s0;
	s0 =	simm.s32 @!p2 $0x0  }
0x16: {  	s3 =	sld [smem:$0x3FDB];
	s0 =	simm.s32 @p2 $0x1  }
0x17: {  	s4 =	simm.s32 $0x1BF5;
	[smem:$0x3FB9] =	sst s0  }
0x18: {  	s0 =	sld [smem:$0x3F9C];
	_ =	swait.ge [sflag:s4], $0x0  }
0x19: {  	s7 =	sld [smem:$0x3F9D]  }
0x1a: {  	s8 =	sadd.s32 $0xFFFFE003, lr  }
0x1b: {  	s9 =	sadd.s32 $0xFFFFFEF7, lr;
	s5 =	simm.s32 $0xFFFFFFFF;
	p2 =	slt.u32 s8, $0xFFFFF086  }
0x1c: {  	p1 =	slt.u32 s9, $0xF7A;
	s5 =	simm.s32 @!p2 $0x0  }
0x1d: {  	s5 =	simm.s32 @p1 $0x1;
	p0 =	seq.s32 s7, s2  }
0x1e: {  	s7 =	smul.u32 @!p0 $0xF7A, s2;
	p2 =	seq.s32 @!p0 s5, $0x0  }
0x1f: {  	s9 =	smul.u32 $0xF7A, s1;
	s8 =	simm.s32 @!p0 $0x1BF5;
	p2 =	por !p2, p0  }
0x20: {  	[sflag:s8] =	ssyncset.s32 @!p0 $0xFFFFF086;
	s6 =	sadd.s32 @!p0 s3, s7;
	s7 =	simm.s32 @!p0 $0x108  }
0x21: {  	s3 =	sadd.s32 s3, s9;
	s6 =	sadd.s32 @!p0 $0x88, s6;
	s7 =	simm.s32 @p2 $0x1082  }
0x22: {  	[simem:s7], [sflag:s8] =	dma.local @!p0 [hbm:s6], $0xF7A  }
0x23: {  	s9 =	sor.u32 $0xD0000000, s2;
	s6 =	simm.s32 $0x108;
	_ =	swait.ge @!p0 [sflag:s8], $0x0  }
0x24: {  	s3 =	sadd.s32 $0x88, s3;
	s6 =	simm.s32 @!p1 $0x1082;
	[sflag:s4] =	ssyncset.s32 $0xFFFFF086  }
0x25: {  	[simem:s6], [sflag:s4] =	dma.local [hbm:s3], $0xF7A  }
0x26: {  	[smem:$0x3F9D] =	sst s1;
	(tag) =	ssettag s2;
	_ =	strace s9  }
0x27: {  	s1 =	sld [smem:$0x3FAD]  }
0x28: {  	s2 =	sld [smem:$0x3FAE]  }
0x29: {  	s4 =	sld [smem:$0x3FB0]  }
0x2a: {  	p0 =	seq.s32 s5, $0x0;
	s5 =	sld [smem:$0x3FB1]  }
0x2b: {  	s6 =	sld [smem:$0x3FB2]  }
0x2c: {  	s7 =	sld [smem:$0x3FB3]  }
0x2d: {  	s3 =	simm.s32 $0x108;
	s8 =	sld [smem:$0x3FB4]  }
0x2e: {  	s3 =	simm.s32 @!p0 $0x1082;
	s9 =	sld [smem:$0x3FB5]  }
0x2f: {  	lr =	sadd.s32 s0, s3;
	s0 =	sld [smem:$0x3FAC]  }
0x30: {  	s3 =	sld [smem:$0x3FAF]  }
0x31: {  	[smem:$0x3FB8] =	sst s10  }
0x32: {  	s10 =	sld [smem:$0x3FB6];
	_ =	sdelay $0x3  }
0x33: {  	p0 =	seq.s32 s10, $0x1;
	s10 =	sld [smem:$0x3FB8];
	_ =	sdelay $0x3  }
0x34: {  	[smem:$0x3FB8] =	sst s10  }
0x35: {  	s10 =	sld [smem:$0x3FB7];
	_ =	sdelay $0x3  }
0x36: {  	p1 =	seq.s32 s10, $0x1;
	s10 =	sld [smem:$0x3FB8];
	_ =	sdelay $0x3  }
0x37: {  	[smem:$0x3FB8] =	sst s10  }
0x38: {  	s10 =	sld [smem:$0x3FB9]  }
0x39: {  	_ = 	snop;
	(pc) =	sbr.ind lr, $3  }
0x3a: {  	_ = 	snop  }
0x3b: {  	_ = 	snop  }
0x3c: {  	p2 =	seq.s32 s10, $0x1;
	s10 =	sld [smem:$0x3FB8]  }
0x3d: {  	_ =	shalt  }
0x3e: {  	_ =	shalt  }
0x3f: {  	_ =	shalt  }
0x40: {  	_ =	shalt  }
0x41: {  	_ =	shalt  }
0x42: {  	_ =	shalt  }
0x43: {  	_ =	shalt  }
0x44: {  	_ =	shalt  }
0x45: {  	_ =	shalt  }
0x46: {  	_ =	shalt  }
0x47: {  	_ =	shalt  }
0x48: {  	_ =	shalt  }
0x49: {  	_ =	shalt  }
0x4a: {  	_ =	shalt  }
0x4b: {  	_ =	shalt  }
0x4c: {  	_ =	shalt  }
0x4d: {  	_ =	shalt  }
0x4e: {  	_ =	shalt  }
0x4f: {  	_ =	shalt  }
0x50: {  	_ =	shalt  }
0x51: {  	_ =	shalt  }
0x52: {  	_ =	shalt  }
0x53: {  	_ =	shalt  }
0x54: {  	_ =	shalt  }
0x55: {  	_ =	shalt  }
0x56: {  	_ =	shalt  }
0x57: {  	_ =	shalt  }
0x58: {  	_ =	shalt  }
0x59: {  	_ =	shalt  }
0x5a: {  	_ =	shalt  }
0x5b: {  	_ =	shalt  }
0x5c: {  	_ =	shalt  }
0x5d: {  	_ =	shalt  }
0x5e: {  	_ =	shalt  }
0x5f: {  	_ =	shalt  }
0x60: {  	_ =	shalt  }
0x61: {  	_ =	shalt  }
0x62: {  	_ =	shalt  }
0x63: {  	_ =	shalt  }
0x64: {  	_ =	shalt  }
0x65: {  	_ =	shalt  }
0x66: {  	_ =	shalt  }
0x67: {  	_ =	shalt  }
0x68: {  	_ =	shalt  }
0x69: {  	_ =	shalt  }
0x6a: {  	_ =	shalt  }
0x6b: {  	_ =	shalt  }
0x6c: {  	_ =	shalt  }
0x6d: {  	_ =	shalt  }
0x6e: {  	_ =	shalt  }
0x6f: {  	_ =	shalt  }
0x70: {  	_ =	shalt  }
0x71: {  	_ =	shalt  }
0x72: {  	_ =	shalt  }
0x73: {  	_ =	shalt  }
0x74: {  	_ =	shalt  }
0x75: {  	_ =	shalt  }
0x76: {  	_ =	shalt  }
0x77: {  	_ =	shalt  }
0x78: {  	_ =	shalt  }
0x79: {  	_ =	shalt  }
0x7a: {  	_ =	shalt  }
0x7b: {  	_ =	shalt  }
0x7c: {  	_ =	shalt  }
0x7d: {  	_ =	shalt  }
0x7e: {  	_ =	shalt  }
0x7f: {  	_ =	shalt  }
0x80: {  	_ =	shalt  }
0x81: {  	_ =	shalt  }
0x82: {  	_ =	shalt  }
0x83: {  	_ =	shalt  }
0x84: {  	_ =	shalt  }
0x85: {  	_ =	shalt  }
0x86: {  	_ =	shalt  }
0x87: {  	_ =	shalt  }
.Lfunc_end0:
.L_simem_size_0:
called_computation_lowered:
.L_overlay_start_0:
0x88: {  	s2 =	sld [smem:$0x3FD9]  }
0x89: {  	s3 =	sld [smem:$0x3FFE];
	_ =	sdelay $0x1  }
0x8a: {  	s1 =	srdreg.scid  }
0x8b: {  	s0 =	sand.u32 $0x1, s1  }
0x8c: {  	s14 =	sshll.u32 s0, $0xA;
	s2 =	sadd.s32 s3, s2  }
0x8d: {  	s2 =	sadd.s32 s2, s14  }
0x8e: {  	[smem:$0x3FC4] =	sst s2  }
0x8f: {  	_ = 	snop  }
0x90: {  	s2 =	sld [smem:$0x3FD0];
	_ =	sdelay $0x2  }
0x91: {  	s4 =	simm.s32 $0xA;
	s5 =	simm.s32 $0x10;
	s15 =	sld [smem:$0x3FC9]  }
0x92: {  	[smem:s5], [sflag:s4] =	dma.local [hbm:s2], $0x1  }
0x93: {  	_ =	swait.eq [sflag:s4], $0x1  }
0x94: {  	[sflag:s4] =	ssyncset.done $0x0  }
0x95: {  	s16 =	sld [smem:$0x10];
	[sflag:s4] =	ssyncadd.s32 $0xFFFFFFFF  }
0x96: {  	s17 =	sld [smem:$0x11];
	(tm) =	ssettm $0x1  }
0x97: {  	s18 =	sld [smem:$0x3FFB];
	_ =	sdelay $0x3  }
0x98: {  	_ =	strace s18  }
0x99: {  	s5 =	sld [smem:$0x3FFC];
	_ =	sdelay $0x3  }
0x9a: {  	_ =	strace s5  }
0x9b: {  	s5 =	sld [smem:$0x3FFD];
	_ =	sdelay $0x3  }
0x9c: {  	_ =	strace s5  }
0x9d: {  	_ =	strace $0x8FFFFFFF  }
0x9e: {  	s19 =	sld [smem:$0x3FDB];
	_ =	sdelay $0x1  }
0x9f: {  	s6 =	simm.s32 $_scs_section_size  }
0xa0: {  	s7 =	simm.s32 $_size__tile_overlayer_lowered;
	s8 =	simm.s32 $_tile_overlayer_lowered  }
0xa1: {  	s22 =	simm.s32 $0x1BFF;
	s21 =	sshll.u32 s8, $0x1;
	s5 =	sadd.s32 s6, s19  }
0xa2: {  	s9 =	simm.s32 $0x0;
	s20 =	sshll.u32 s7, $0x1;
	s7 =	sadd.s32 s21, s5  }
0xa3: {  	[timem:s9], [sflag:s22] =	dma.local [hbm:s7], s20  }
0xa4: {  	_ =	swait.ge [sflag:s22], s20  }
0xa5: {  	s6 =	ssub.s32 $0x0, s20;
	[sflag:s22] =	ssyncset.done $0x0  }
0xa6: {  	[sflag:s22] =	ssyncadd.s32 s6;
	_ =	sdelay $0x1  }
0xa7: {  	s23 =	simm.s32 $0x1B8B  }
0xa8: {  	_ =	swait.ge [sflag:s23], $0x1  }
0xa9: {  	[sflag:s23] =	ssyncset.done $0x0  }
0xaa: {  	s25 =	simm.s32 $0x1B8E;
	s24 =	sld [smem:$0x3FFE];
	[sflag:s23] =	ssyncadd.s32 $0xFFFFFFFF  }
0xab: {  	s26 =	simm.s32 $execute0_lowered;
	[smem:$0x3FD2] =	sst s25  }
0xac: {  	s7 =	sshll.u32 s26, $0x1;
	_ =	strace $0x80000046;
	[dreg:$0x1] =	wrdreg $0xFFFFFFFF  }
0xad: {  	s28 =	simm.s32 $_size_execute0_lowered;
	s5 =	sadd.s32 s5, s7;
	[dreg:$0x0] =	wrdreg $0x0  }
0xae: {  	s7 =	sshll.u32 s28, $0x1;
	[dreg:$0x2] =	wrdreg s5  }
0xaf: {  	[dreg:$0x3] =	wrdreg s7  }
0xb0: {  	[dreg:$0x4] =	wrdreg $0xC0  }
0xb1: {  	_ =	task [dreg:s9], $0x5FFFF  }
0xb2: {  	[dreg:$0x1] =	wrdreg $0xFFFFFFFF  }
0xb3: {  	[dreg:$0x0] =	wrdreg $0x60  }
0xb4: {  	[dreg:$0x2] =	wrdreg s15  }
0xb5: {  	[dreg:$0x3] =	wrdreg s24  }
0xb6: {  	[dreg:$0x4] =	wrdreg s16  }
0xb7: {  	[dreg:$0x5] =	wrdreg s17  }
0xb8: {  	[dreg:$0x6] =	wrdreg $0x0  }
0xb9: {  	[dreg:$0x7] =	wrdreg $0x27100  }
0xba: {  	[dreg:$0x8] =	wrdreg $0x9  }
0xbb: {  	_ =	task.clear_ibuf [dreg:s9], $0x9FFFF;
	_ =	strace $0x90000046  }
0xbc: {  	s29 =	simm.s32 $0x9;
	_ =	strace $0x80000048  }
0xbd: {  	_ =	swait.ge [sflag:s29], $0x1  }
0xbe: {  	[sflag:s29] =	ssyncadd.s32 $0xFFFFFFFF  }
0xbf: {  	_ =	strace $0x90000048  }
0xc0: {  	_ =	sfence  }
0xc1: {  	s30 =	sld [smem:$0x0];
	_ =	sdelay $0x2  }
0xc2: {  	s31 =	sshll.u32 s1, $0xD;
	s1 =	sshrl.u32 s1, $0x2  }
0xc3: {  	s3 =	sand.u32 $0x4000, s31;
	s1 =	sadd.s32 s1, s30  }
0xc4: {  	s0 =	sor.u32 s3, s0;
	s1 =	sshll.u32 s1, $0x11  }
0xc5: {  	s0 =	sor.u32 s1, s0  }
0xc6: {  	s0 =	sadd.s32 $0x8F2B, s0  }
0xc7: {  	[sflag:s0] =	ssyncadd.remote.s32 $0x1  }
0xc8: {  	_ =	sfence.sel $0xFFFF  }
0xc9: {  	[dreg:$0x0] =	wrdreg $0xFFFFFFFF;
	(pc) =	sbr.abs _section_cstart, $3  }
0xca: {  	[dreg:$0x1] =	wrdreg $0xFFFFFFFF  }
0xcb: {  	_ =	task.clear_ibuf [dreg:s9], $0x2FFFF;
	_ =	strace $0x9FFFFFFF  }
0xcc: {  	(tm) =	ssettm $0x7FFFFFFF  }
0xcd: {  	_ =	shalt  }
tec
execute0_lowered:
.L_overlay_start_1:
0x0: {  	(tag) =	ssettag $0x1  }
0x1: {  	s6 =	rddreg [dreg:$0x0]  }
0x2: {  	s7 =	rddreg [dreg:$0x1]  }
0x3: {  	s0 =	rddreg [dreg:$0x2]  }
0x4: {  	s5 =	rddreg [dreg:$0x3]  }
0x5: {  	s3 =	rddreg [dreg:$0x4]  }
0x6: {  	s20 =	srdreg.scid;
	s2 =	rddreg [dreg:$0x5];
	s4 =	simm.s32 $0x0  }
0x7: {  	p1 =	por $0x0, $0x0;
	[dreg:$0x7] =	wrdreg s0;
	s8 =	sand.u32 $0x1, s20  }
0x8: {  	s0 =	stileid.u32;
	[smem:$0x7FF] =	sst s4;
	s20 =	sadd.s32 $0x4E2E00, s7  }
0x9: {  	s18 =	sadd.s32 $0xE00, s7;
	s31 =	sadd.s32 $0x27000, s3;
	s1 =	sshll.u32 s8, $0x4  }
0xa: {  	s17 =	sadd.s32 $0x27000, s2;
	s9 =	sor.u32 s0, s1;
	s1 =	rddreg [dreg:$0x6]  }
0xb: {  	s16 =	smul.u32 $0x2700, s0;
	_ =	strace $0x80000047;
	[dreg:$0xf] =	wrdreg s31  }
0xc: {  	s26 =	ssub.s32 $0x2, s8;
	p0 =	sne.s32 s0, $0xF;
	[dreg:$0x10] =	wrdreg s17  }
0xd: {  	s10 =	smul.u32 $0x2710, s9;
	s25 =	sadd.s32 s16, s3;
	s28 =	rddreg [dreg:$0x7]  }
0xe: {  	s30 =	sshrl.u32 s26, $0x1;
	s29 =	sadd.s32 s16, s2;
	[dreg:$0xd] =	wrdreg s25  }
0xf: {  	s9 =	smul.u32 $0x4E20, s9;
	[dreg:$0xe] =	wrdreg s29;
	s11 =	sshrl.u32 s10, $0x3  }
0x10: {  	s12 =	sadd.s32 $0x7D0, s10;
	s14 =	sadd.s32 $0xFA0, s10;
	s11 =	sadd.s32 s6, s11  }
0x11: {  	s13 =	sshrl.u32 s12, $0x3;
	s22 =	sshrl.u32 s14, $0x3;
	s19 =	sshll.u32 s12, $0x1  }
0x12: {  	[dreg:$0x8] =	wrdreg s11;
	s21 =	sadd.s32 s6, s13;
	s23 =	sadd.s32 s6, s22  }
0x13: {  	s13 =	sadd.s32 $0x1770, s10;
	s10 =	sadd.s32 $0x1F40, s10;
	[dreg:$0x9] =	wrdreg s21  }
0x14: {  	s22 =	sadd.s32 $0x1400, s7;
	s19 =	sadd.s32 s20, s19;
	[dreg:$0xa] =	wrdreg s23  }
0x15: {  	s24 =	sshrl.u32 s13, $0x3;
	s15 =	sshrl.u32 s10, $0x3;
	s21 =	sadd.s32 s20, s9  }
0x16: {  	s23 =	smul.u32 $0x27100, s8;
	s25 =	sshll.u32 s13, $0x1;
	s29 =	sshll.u32 s10, $0x1  }
0x17: {  	s9 =	simm.s32 $0x1;
	s13 =	simm.s32 $0x16760;
	s11 =	sadd.s32 s6, s24  }
0x18: {  	s6 =	sadd.s32 s6, s15;
	[dreg:$0xb] =	wrdreg s11;
	s11 =	ssub.s32 s26, s30  }
0x19: {  	s24 =	sshll.u32 s14, $0x1;
	s26 =	sadd.s32 s16, s23;
	s31 =	smax.u32 s11, $0x1  }
0x1a: {  	[dreg:$0xc] =	wrdreg s6;
	s6 =	sshrl.u32 s26, $0x3;
	s26 =	sadd.s32 $0xFFFFFFFF, s31  }
0x1b: {  	s12 =	sadd.s32 s20, s25;
	s10 =	sadd.s32 s20, s29;
	p2 =	sne.s32 s26, $0x0  }
.Ltmp0:
0x1c: {  	s15 =	simm.s32 $0x4E20;
	s14 =	simm.s32 $0x7D0;
	(pc) =	sbr.rel @!p2 .LBB2_1-.Ltmp0, $4  }
0x1d: {  	s17 =	sadd.s32 s20, s24;
	s7 =	sshrl.u32 s23, $0x3;
	s23 =	simm.s32 $0x14820  }
0x1e: {  	s20 =	simm.s32 $0x157C0;
	s16 =	simm.s32 $0x15F90;
	s30 =	sadd.s32 $0x4E00, s7  }
0x1f: {  	s11 =	simm.s32 $0xCB20;
	s8 =	sadd.s32 s5, s6;
	s7 =	sadd.s32 s22, s6  }
0x20: {  	s6 =	sadd.s32 s5, s30;
	s5 =	sadd.s32 s22, s30;
	s22 =	simm.s32 $0x14FF0  }
0x21: {  	[tilespmem:s11], [sflag:$0x1] =	stream.linear.gather [hbm4b:s28+s4], $0x7D00, $0x38;
	[tilespmem:$0x16F30] =	vst v63  }
0x22: {  	_ =	swait.ge [sflag:s9], $0x7D00  }
0x23: {  	[sflag:s9] =	ssyncset.done $0x0  }
0x24: {  	s24 =	rddreg [dreg:$0x8];
	[sflag:s9] =	ssyncadd.s32 $0xFFFF8300  }
0x25: {  	[tilespmem:s23], [sflag:$0x1] =	stream.linear.gather [hbm4b:s24+s4], $0x7D0, $0x38;
	[tilespmem:$0x16F30] =	vst v63  }
0x26: {  	_ =	swait.ge [sflag:s9], $0x7D0  }
0x27: {  	[sflag:s9] =	ssyncset.done $0x0  }
0x28: {  	s30 =	rddreg [dreg:$0x9];
	[sflag:s9] =	ssyncadd.s32 $0xFFFFF830  }
0x29: {  	[tilespmem:s22], [sflag:$0x1] =	stream.linear.gather [hbm4b:s30+s4], $0x7D0, $0x38;
	[tilespmem:$0x16F30] =	vst v63  }
0x2a: {  	_ =	swait.ge [sflag:s9], $0x7D0  }
0x2b: {  	[sflag:s9] =	ssyncset.done $0x0  }
0x2c: {  	s31 =	rddreg [dreg:$0xa];
	[sflag:s9] =	ssyncadd.s32 $0xFFFFF830  }
0x2d: {  	[tilespmem:s20], [sflag:$0x1] =	stream.linear.gather [hbm4b:s31+s4], $0x7D0, $0x38;
	[tilespmem:$0x16F30] =	vst v63  }
0x2e: {  	_ =	swait.ge [sflag:s9], $0x7D0  }
0x2f: {  	[sflag:s9] =	ssyncset.done $0x0  }
0x30: {  	s25 =	rddreg [dreg:$0xb];
	[sflag:s9] =	ssyncadd.s32 $0xFFFFF830  }
0x31: {  	[tilespmem:s16], [sflag:$0x1] =	stream.linear.gather [hbm4b:s25+s4], $0x7D0, $0x38;
	[tilespmem:$0x16F30] =	vst v63  }
0x32: {  	_ =	swait.ge [sflag:s9], $0x7D0  }
0x33: {  	[sflag:s9] =	ssyncset.done $0x0  }
0x34: {  	s29 =	rddreg [dreg:$0xc];
	[sflag:s9] =	ssyncadd.s32 $0xFFFFF830  }
0x35: {  	[tilespmem:s13], [sflag:$0x1] =	stream.linear.gather [hbm4b:s29+s4], $0x7D0, $0x38;
	[tilespmem:$0x16F30] =	vst v63  }
0x36: {  	_ =	swait.ge [sflag:s9], $0x7D0  }
0x37: {  	s30 =	sshll.u32 s0, $0x6;
	s25 =	rddreg [dreg:$0xd];
	[sflag:s9] =	ssyncset.done $0x0  }
0x38: {  	s24 =	sor.u32 $0x1C01, s30;
	[sflag:s9] =	ssyncadd.s32 $0xFFFFF830;
	s28 =	sshrl.u32 s25, $0x3  }
0x39: {  	[spmem:s28], [sflag:s24] =	dma.local [hbm:s18], $0x4E0  }
0x3a: {  	_ =	swait.ge [sflag:s9], $0x4E0  }
0x3b: {  	s31 =	rddreg [dreg:$0xe];
	[sflag:s9] =	ssyncset.done $0x0  }
0x3c: {  	[sflag:s9] =	ssyncadd.s32 $0xFFFFFB20;
	s29 =	sshrl.u32 s31, $0x3  }
0x3d: {  	[spmem:s29], [sflag:s24] =	dma.local [hbm:s18], $0x4E0  }
0x3e: {  	_ =	swait.ge [sflag:s9], $0x4E0  }
0x3f: {  	s25 =	rddreg [dreg:$0xf];
	[sflag:s9] =	ssyncset.done $0x0  }
0x40: {  	[sflag:s9] =	ssyncadd.s32 $0xFFFFFB20;
	s30 =	sshrl.u32 @!p0 s25, $0x3;
	s25 =	simm.s32 @!p0 $0x1  }
0x41: {  	[spmem:s30], [sflag:s24] =	dma.local @!p0 [hbm:s18], $0x20  }
0x42: {  	_ =	swait.ge @!p0 [sflag:s25], $0x20  }
0x43: {  	s31 =	rddreg [dreg:$0x10];
	[sflag:s25] =	ssyncset.done @!p0 $0x0  }
0x44: {  	[sflag:s25] =	ssyncadd.s32 @!p0 $0xFFFFFFE0;
	s31 =	sshrl.u32 @!p0 s31, $0x3  }
0x45: {  	[spmem:s31], [sflag:s24] =	dma.local @!p0 [hbm:s18], $0x20  }
0x46: {  	_ =	swait.ge @!p0 [sflag:s25], $0x20  }
0x47: {  	[sflag:s25] =	ssyncset.done @!p0 $0x0  }
0x48: {  	[sflag:s25] =	ssyncadd.s32 @!p0 $0xFFFFFFE0  }
0x49: {  	[bflag:$0x0] =	sbarrier.arrive $0xFFFF  }
0x4a: {  	[tilespmem:s15], [sflag:$0x1] =	stream.linear.gather [hbm4b:s21+s4], $0x7D00, $0x38;
	[tilespmem:$0x16F30] =	vst v63  }
0x4b: {  	_ =	swait.ge [sflag:s9], $0x7D00  }
0x4c: {  	[sflag:s9] =	ssyncset.done $0x0  }
0x4d: {  	[sflag:s9] =	ssyncadd.s32 $0xFFFF8300  }
0x4e: {  	[spmem:s3] =	stream.indirect.scatter.add.f32 [tilespmem:s15], [sflag:$0x1], $0x10, s23, s14, $0xb8;
	[tilespmem:$0x16F30] =	vst v63  }
0x4f: {  	_ =	swait.ge [sflag:s9], $0x7D00  }
0x50: {  	[sflag:s9] =	ssyncset.done $0x0  }
0x51: {  	[sflag:s9] =	ssyncadd.s32 $0xFFFF8300  }
0x52: {  	[spmem:s2] =	stream.indirect.scatter.add.f32 [tilespmem:s11], [sflag:$0x1], $0x10, s23, s14, $0xb8;
	[tilespmem:$0x16F30] =	vst v63  }
0x53: {  	_ =	swait.ge [sflag:s9], $0x7D00  }
0x54: {  	[sflag:s9] =	ssyncset.done $0x0  }
0x55: {  	[sflag:s9] =	ssyncadd.s32 $0xFFFF8300  }
0x56: {  	[tilespmem:s15], [sflag:$0x1] =	stream.linear.gather [hbm4b:s19+s4], $0x7D00, $0x38;
	[tilespmem:$0x16F30] =	vst v63  }
0x57: {  	_ =	swait.ge [sflag:s9], $0x7D00  }
0x58: {  	[sflag:s9] =	ssyncset.done $0x0  }
0x59: {  	[sflag:s9] =	ssyncadd.s32 $0xFFFF8300  }
0x5a: {  	[spmem:s3] =	stream.indirect.scatter.add.f32 [tilespmem:s15], [sflag:$0x1], $0x10, s22, s14, $0xb8;
	[tilespmem:$0x16F30] =	vst v63  }
0x5b: {  	_ =	swait.ge [sflag:s9], $0x7D00  }
0x5c: {  	[sflag:s9] =	ssyncset.done $0x0  }
0x5d: {  	[sflag:s9] =	ssyncadd.s32 $0xFFFF8300  }
0x5e: {  	[spmem:s2] =	stream.indirect.scatter.add.f32 [tilespmem:s11], [sflag:$0x1], $0x10, s22, s14, $0xb8;
	[tilespmem:$0x16F30] =	vst v63  }
0x5f: {  	_ =	swait.ge [sflag:s9], $0x7D00  }
0x60: {  	[sflag:s9] =	ssyncset.done $0x0  }
0x61: {  	[sflag:s9] =	ssyncadd.s32 $0xFFFF8300  }
0x62: {  	[tilespmem:s15], [sflag:$0x1] =	stream.linear.gather [hbm4b:s17+s4], $0x7D00, $0x38;
	[tilespmem:$0x16F30] =	vst v63  }
0x63: {  	_ =	swait.ge [sflag:s9], $0x7D00  }
0x64: {  	[sflag:s9] =	ssyncset.done $0x0  }
0x65: {  	[sflag:s9] =	ssyncadd.s32 $0xFFFF8300  }
0x66: {  	[spmem:s3] =	stream.indirect.scatter.add.f32 [tilespmem:s15], [sflag:$0x1], $0x10, s20, s14, $0xb8;
	[tilespmem:$0x16F30] =	vst v63  }
0x67: {  	_ =	swait.ge [sflag:s9], $0x7D00  }
0x68: {  	[sflag:s9] =	ssyncset.done $0x0  }
0x69: {  	[sflag:s9] =	ssyncadd.s32 $0xFFFF8300  }
0x6a: {  	[spmem:s2] =	stream.indirect.scatter.add.f32 [tilespmem:s11], [sflag:$0x1], $0x10, s20, s14, $0xb8;
	[tilespmem:$0x16F30] =	vst v63  }
0x6b: {  	_ =	swait.ge [sflag:s9], $0x7D00  }
0x6c: {  	[sflag:s9] =	ssyncset.done $0x0  }
0x6d: {  	[sflag:s9] =	ssyncadd.s32 $0xFFFF8300  }
0x6e: {  	[tilespmem:s15], [sflag:$0x1] =	stream.linear.gather [hbm4b:s12+s4], $0x7D00, $0x38;
	[tilespmem:$0x16F30] =	vst v63  }
0x6f: {  	_ =	swait.ge [sflag:s9], $0x7D00  }
0x70: {  	[sflag:s9] =	ssyncset.done $0x0  }
0x71: {  	[sflag:s9] =	ssyncadd.s32 $0xFFFF8300  }
0x72: {  	[spmem:s3] =	stream.indirect.scatter.add.f32 [tilespmem:s15], [sflag:$0x1], $0x10, s16, s14, $0xb8;
	[tilespmem:$0x16F30] =	vst v63  }
0x73: {  	_ =	swait.ge [sflag:s9], $0x7D00  }
0x74: {  	[sflag:s9] =	ssyncset.done $0x0  }
0x75: {  	[sflag:s9] =	ssyncadd.s32 $0xFFFF8300  }
0x76: {  	[spmem:s2] =	stream.indirect.scatter.add.f32 [tilespmem:s11], [sflag:$0x1], $0x10, s16, s14, $0xb8;
	[tilespmem:$0x16F30] =	vst v63  }
0x77: {  	_ =	swait.ge [sflag:s9], $0x7D00  }
0x78: {  	[sflag:s9] =	ssyncset.done $0x0  }
0x79: {  	[sflag:s9] =	ssyncadd.s32 $0xFFFF8300  }
0x7a: {  	[tilespmem:s15], [sflag:$0x1] =	stream.linear.gather [hbm4b:s10+s4], $0x7D00, $0x38;
	[tilespmem:$0x16F30] =	vst v63  }
0x7b: {  	_ =	swait.ge [sflag:s9], $0x7D00  }
0x7c: {  	[sflag:s9] =	ssyncset.done $0x0  }
0x7d: {  	[sflag:s9] =	ssyncadd.s32 $0xFFFF8300  }
0x7e: {  	[spmem:s3] =	stream.indirect.scatter.add.f32 [tilespmem:s15], [sflag:$0x1], $0x10, s13, s14, $0xb8;
	[tilespmem:$0x16F30] =	vst v63  }
0x7f: {  	_ =	swait.ge [sflag:s9], $0x7D00  }
0x80: {  	[sflag:s9] =	ssyncset.done $0x0  }
0x81: {  	[sflag:s9] =	ssyncadd.s32 $0xFFFF8300  }
0x82: {  	[spmem:s2] =	stream.indirect.scatter.add.f32 [tilespmem:s11], [sflag:$0x1], $0x10, s13, s14, $0xb8;
	[tilespmem:$0x16F30] =	vst v63  }
0x83: {  	_ =	swait.ge [sflag:s9], $0x7D00  }
0x84: {  	[sflag:s9] =	ssyncset.done $0x0  }
0x85: {  	[sflag:s9] =	ssyncadd.s32 $0xFFFF8300  }
0x86: {  	[bflag:$0x0] =	sbarrier.arrive $0xFFFF  }
0x87: {  	[hbm:s8], [sflag:s24] =	dma.local [spmem:s28], $0x4E0  }
0x88: {  	_ =	swait.ge [sflag:s9], $0x4E0  }
0x89: {  	[sflag:s9] =	ssyncset.done $0x0  }
0x8a: {  	[sflag:s9] =	ssyncadd.s32 $0xFFFFFB20  }
0x8b: {  	[hbm:s7], [sflag:s24] =	dma.local [spmem:s29], $0x4E0  }
0x8c: {  	_ =	swait.ge [sflag:s9], $0x4E0  }
0x8d: {  	[sflag:s9] =	ssyncset.done $0x0  }
0x8e: {  	s26 =	sadd.s32 $0xFFFFFFFF, s26;
	[sflag:s9] =	ssyncadd.s32 $0xFFFFFB20  }
0x8f: {  	[hbm:s6], [sflag:s24] =	dma.local @!p0 [spmem:s30], $0x20  }
0x90: {  	p2 =	sne.s32 s26, $0x0;
	_ =	swait.ge @!p0 [sflag:s25], $0x20  }
.Ltmp1:
0x91: {  	[sflag:s25] =	ssyncset.done @!p0 $0x0;
	(pc) =	sbr.rel @!p2 .LBB2_4-.Ltmp1, $4  }
0x92: {  	[sflag:s25] =	ssyncadd.s32 @!p0 $0xFFFFFFE0  }
0x93: {  	[hbm:s5], [sflag:s24] =	dma.local @!p0 [spmem:s31], $0x20  }
0x94: {  	_ =	swait.ge @!p0 [sflag:s25], $0x20  }
0x95: {  	p1 =	por $0x1, $0x1;
	s28 =	rddreg [dreg:$0x7];
	[sflag:s25] =	ssyncset.done @!p0 $0x0  }
.LBB2_3:
0x96: {  	[sflag:s25] =	ssyncadd.s32 @!p0 $0xFFFFFFE0  }
0x97: {  	[tilespmem:s11], [sflag:$0x1] =	stream.linear.gather [hbm4b:s28+s4], $0x7D00, $0x38;
	[tilespmem:$0x16F30] =	vst v63  }
0x98: {  	_ =	swait.ge [sflag:s9], $0x7D00  }
0x99: {  	[sflag:s9] =	ssyncset.done $0x0  }
0x9a: {  	s28 =	rddreg [dreg:$0x8];
	[sflag:s9] =	ssyncadd.s32 $0xFFFF8300  }
0x9b: {  	[tilespmem:s23], [sflag:$0x1] =	stream.linear.gather [hbm4b:s28+s4], $0x7D0, $0x38;
	[tilespmem:$0x16F30] =	vst v63  }
0x9c: {  	_ =	swait.ge [sflag:s9], $0x7D0  }
0x9d: {  	[sflag:s9] =	ssyncset.done $0x0  }
0x9e: {  	s28 =	rddreg [dreg:$0x9];
	[sflag:s9] =	ssyncadd.s32 $0xFFFFF830  }
0x9f: {  	[tilespmem:s22], [sflag:$0x1] =	stream.linear.gather [hbm4b:s28+s4], $0x7D0, $0x38;
	[tilespmem:$0x16F30] =	vst v63  }
0xa0: {  	_ =	swait.ge [sflag:s9], $0x7D0  }
0xa1: {  	[sflag:s9] =	ssyncset.done $0x0  }
0xa2: {  	s28 =	rddreg [dreg:$0xa];
	[sflag:s9] =	ssyncadd.s32 $0xFFFFF830  }
0xa3: {  	[tilespmem:s20], [sflag:$0x1] =	stream.linear.gather [hbm4b:s28+s4], $0x7D0, $0x38;
	[tilespmem:$0x16F30] =	vst v63  }
0xa4: {  	_ =	swait.ge [sflag:s9], $0x7D0  }
0xa5: {  	[sflag:s9] =	ssyncset.done $0x0  }
0xa6: {  	s28 =	rddreg [dreg:$0xb];
	[sflag:s9] =	ssyncadd.s32 $0xFFFFF830  }
0xa7: {  	[tilespmem:s16], [sflag:$0x1] =	stream.linear.gather [hbm4b:s28+s4], $0x7D0, $0x38;
	[tilespmem:$0x16F30] =	vst v63  }
0xa8: {  	_ =	swait.ge [sflag:s9], $0x7D0  }
0xa9: {  	[sflag:s9] =	ssyncset.done $0x0  }
0xaa: {  	s28 =	rddreg [dreg:$0xc];
	[sflag:s9] =	ssyncadd.s32 $0xFFFFF830  }
0xab: {  	[tilespmem:s13], [sflag:$0x1] =	stream.linear.gather [hbm4b:s28+s4], $0x7D0, $0x38;
	[tilespmem:$0x16F30] =	vst v63  }
0xac: {  	_ =	swait.ge [sflag:s9], $0x7D0  }
0xad: {  	[sflag:s9] =	ssyncset.done $0x0;
	s28 =	rddreg [dreg:$0xd]  }
0xae: {  	[sflag:s9] =	ssyncadd.s32 $0xFFFFF830;
	s28 =	sshrl.u32 s28, $0x3  }
0xaf: {  	[spmem:s28], [sflag:s24] =	dma.local [hbm:s18], $0x4E0  }
0xb0: {  	_ =	swait.ge [sflag:s9], $0x4E0  }
0xb1: {  	[sflag:s9] =	ssyncset.done $0x0;
	s29 =	rddreg [dreg:$0xe]  }
0xb2: {  	[sflag:s9] =	ssyncadd.s32 $0xFFFFFB20;
	s29 =	sshrl.u32 s29, $0x3  }
0xb3: {  	[spmem:s29], [sflag:s24] =	dma.local [hbm:s18], $0x4E0  }
0xb4: {  	_ =	swait.ge [sflag:s9], $0x4E0  }
0xb5: {  	[sflag:s9] =	ssyncset.done $0x0;
	s30 =	rddreg [dreg:$0xf]  }
0xb6: {  	[sflag:s9] =	ssyncadd.s32 $0xFFFFFB20;
	s30 =	sshrl.u32 @!p0 s30, $0x3  }
0xb7: {  	[spmem:s30], [sflag:s24] =	dma.local @!p0 [hbm:s18], $0x20  }
0xb8: {  	_ =	swait.ge @!p0 [sflag:s25], $0x20  }
0xb9: {  	[sflag:s25] =	ssyncset.done @!p0 $0x0;
	s31 =	rddreg [dreg:$0x10]  }
0xba: {  	[sflag:s25] =	ssyncadd.s32 @!p0 $0xFFFFFFE0;
	s31 =	sshrl.u32 @!p0 s31, $0x3  }
0xbb: {  	[spmem:s31], [sflag:s24] =	dma.local @!p0 [hbm:s18], $0x20  }
0xbc: {  	_ =	swait.ge @!p0 [sflag:s25], $0x20  }
0xbd: {  	[sflag:s25] =	ssyncset.done @!p0 $0x0  }
0xbe: {  	[sflag:s25] =	ssyncadd.s32 @!p0 $0xFFFFFFE0  }
0xbf: {  	[bflag:$0x0] =	sbarrier.arrive $0xFFFF  }
0xc0: {  	[tilespmem:s15], [sflag:$0x1] =	stream.linear.gather [hbm4b:s21+s4], $0x7D00, $0x38;
	[tilespmem:$0x16F30] =	vst v63  }
0xc1: {  	_ =	swait.ge [sflag:s9], $0x7D00  }
0xc2: {  	[sflag:s9] =	ssyncset.done $0x0  }
0xc3: {  	[sflag:s9] =	ssyncadd.s32 $0xFFFF8300  }
0xc4: {  	[spmem:s3] =	stream.indirect.scatter.add.f32 [tilespmem:s15], [sflag:$0x1], $0x10, s23, s14, $0xb8;
	[tilespmem:$0x16F30] =	vst v63  }
0xc5: {  	_ =	swait.ge [sflag:s9], $0x7D00  }
0xc6: {  	[sflag:s9] =	ssyncset.done $0x0  }
0xc7: {  	[sflag:s9] =	ssyncadd.s32 $0xFFFF8300  }
0xc8: {  	[spmem:s2] =	stream.indirect.scatter.add.f32 [tilespmem:s11], [sflag:$0x1], $0x10, s23, s14, $0xb8;
	[tilespmem:$0x16F30] =	vst v63  }
0xc9: {  	_ =	swait.ge [sflag:s9], $0x7D00  }
0xca: {  	[sflag:s9] =	ssyncset.done $0x0  }
0xcb: {  	[sflag:s9] =	ssyncadd.s32 $0xFFFF8300  }
0xcc: {  	[tilespmem:s15], [sflag:$0x1] =	stream.linear.gather [hbm4b:s19+s4], $0x7D00, $0x38;
	[tilespmem:$0x16F30] =	vst v63  }
0xcd: {  	_ =	swait.ge [sflag:s9], $0x7D00  }
0xce: {  	[sflag:s9] =	ssyncset.done $0x0  }
0xcf: {  	[sflag:s9] =	ssyncadd.s32 $0xFFFF8300  }
0xd0: {  	[spmem:s3] =	stream.indirect.scatter.add.f32 [tilespmem:s15], [sflag:$0x1], $0x10, s22, s14, $0xb8;
	[tilespmem:$0x16F30] =	vst v63  }
0xd1: {  	_ =	swait.ge [sflag:s9], $0x7D00  }
0xd2: {  	[sflag:s9] =	ssyncset.done $0x0  }
0xd3: {  	[sflag:s9] =	ssyncadd.s32 $0xFFFF8300  }
0xd4: {  	[spmem:s2] =	stream.indirect.scatter.add.f32 [tilespmem:s11], [sflag:$0x1], $0x10, s22, s14, $0xb8;
	[tilespmem:$0x16F30] =	vst v63  }
0xd5: {  	_ =	swait.ge [sflag:s9], $0x7D00  }
0xd6: {  	[sflag:s9] =	ssyncset.done $0x0  }
0xd7: {  	[sflag:s9] =	ssyncadd.s32 $0xFFFF8300  }
0xd8: {  	[tilespmem:s15], [sflag:$0x1] =	stream.linear.gather [hbm4b:s17+s4], $0x7D00, $0x38;
	[tilespmem:$0x16F30] =	vst v63  }
0xd9: {  	_ =	swait.ge [sflag:s9], $0x7D00  }
0xda: {  	[sflag:s9] =	ssyncset.done $0x0  }
0xdb: {  	[sflag:s9] =	ssyncadd.s32 $0xFFFF8300  }
0xdc: {  	[spmem:s3] =	stream.indirect.scatter.add.f32 [tilespmem:s15], [sflag:$0x1], $0x10, s20, s14, $0xb8;
	[tilespmem:$0x16F30] =	vst v63  }
0xdd: {  	_ =	swait.ge [sflag:s9], $0x7D00  }
0xde: {  	[sflag:s9] =	ssyncset.done $0x0  }
0xdf: {  	[sflag:s9] =	ssyncadd.s32 $0xFFFF8300  }
0xe0: {  	[spmem:s2] =	stream.indirect.scatter.add.f32 [tilespmem:s11], [sflag:$0x1], $0x10, s20, s14, $0xb8;
	[tilespmem:$0x16F30] =	vst v63  }
0xe1: {  	_ =	swait.ge [sflag:s9], $0x7D00  }
0xe2: {  	[sflag:s9] =	ssyncset.done $0x0  }
0xe3: {  	[sflag:s9] =	ssyncadd.s32 $0xFFFF8300  }
0xe4: {  	[tilespmem:s15], [sflag:$0x1] =	stream.linear.gather [hbm4b:s12+s4], $0x7D00, $0x38;
	[tilespmem:$0x16F30] =	vst v63  }
0xe5: {  	_ =	swait.ge [sflag:s9], $0x7D00  }
0xe6: {  	[sflag:s9] =	ssyncset.done $0x0  }
0xe7: {  	[sflag:s9] =	ssyncadd.s32 $0xFFFF8300  }
0xe8: {  	[spmem:s3] =	stream.indirect.scatter.add.f32 [tilespmem:s15], [sflag:$0x1], $0x10, s16, s14, $0xb8;
	[tilespmem:$0x16F30] =	vst v63  }
0xe9: {  	_ =	swait.ge [sflag:s9], $0x7D00  }
0xea: {  	[sflag:s9] =	ssyncset.done $0x0  }
0xeb: {  	[sflag:s9] =	ssyncadd.s32 $0xFFFF8300  }
0xec: {  	[spmem:s2] =	stream.indirect.scatter.add.f32 [tilespmem:s11], [sflag:$0x1], $0x10, s16, s14, $0xb8;
	[tilespmem:$0x16F30] =	vst v63  }
0xed: {  	_ =	swait.ge [sflag:s9], $0x7D00  }
0xee: {  	[sflag:s9] =	ssyncset.done $0x0  }
0xef: {  	[sflag:s9] =	ssyncadd.s32 $0xFFFF8300  }
0xf0: {  	[tilespmem:s15], [sflag:$0x1] =	stream.linear.gather [hbm4b:s10+s4], $0x7D00, $0x38;
	[tilespmem:$0x16F30] =	vst v63  }
0xf1: {  	_ =	swait.ge [sflag:s9], $0x7D00  }
0xf2: {  	[sflag:s9] =	ssyncset.done $0x0  }
0xf3: {  	[sflag:s9] =	ssyncadd.s32 $0xFFFF8300  }
0xf4: {  	[spmem:s3] =	stream.indirect.scatter.add.f32 [tilespmem:s15], [sflag:$0x1], $0x10, s13, s14, $0xb8;
	[tilespmem:$0x16F30] =	vst v63  }
0xf5: {  	_ =	swait.ge [sflag:s9], $0x7D00  }
0xf6: {  	[sflag:s9] =	ssyncset.done $0x0  }
0xf7: {  	[sflag:s9] =	ssyncadd.s32 $0xFFFF8300  }
0xf8: {  	[spmem:s2] =	stream.indirect.scatter.add.f32 [tilespmem:s11], [sflag:$0x1], $0x10, s13, s14, $0xb8;
	[tilespmem:$0x16F30] =	vst v63  }
0xf9: {  	_ =	swait.ge [sflag:s9], $0x7D00  }
0xfa: {  	[sflag:s9] =	ssyncset.done $0x0  }
0xfb: {  	[sflag:s9] =	ssyncadd.s32 $0xFFFF8300  }
0xfc: {  	[bflag:$0x0] =	sbarrier.arrive $0xFFFF  }
0xfd: {  	[hbm:s8], [sflag:s24] =	dma.local [spmem:s28], $0x4E0  }
0xfe: {  	_ =	swait.ge [sflag:s9], $0x4E0  }
0xff: {  	[sflag:s9] =	ssyncset.done $0x0  }
0x100: {  	[sflag:s9] =	ssyncadd.s32 $0xFFFFFB20  }
0x101: {  	[hbm:s7], [sflag:s24] =	dma.local [spmem:s29], $0x4E0  }
0x102: {  	_ =	swait.ge [sflag:s9], $0x4E0  }
0x103: {  	[sflag:s9] =	ssyncset.done $0x0  }
0x104: {  	s26 =	sadd.s32 $0xFFFFFFFF, s26;
	[sflag:s9] =	ssyncadd.s32 $0xFFFFFB20  }
0x105: {  	[hbm:s6], [sflag:s24] =	dma.local @!p0 [spmem:s30], $0x20  }
0x106: {  	p2 =	sne.s32 s26, $0x0;
	_ =	swait.ge @!p0 [sflag:s25], $0x20  }
.Ltmp2:
0x107: {  	[sflag:s25] =	ssyncset.done @!p0 $0x0;
	(pc) =	sbr.rel @p2 .LBB2_3-.Ltmp2, $4  }
0x108: {  	[sflag:s25] =	ssyncadd.s32 @!p0 $0xFFFFFFE0  }
0x109: {  	[hbm:s5], [sflag:s24] =	dma.local @!p0 [spmem:s31], $0x20  }
0x10a: {  	_ =	swait.ge @!p0 [sflag:s25], $0x20  }
0x10b: {  	s28 =	rddreg [dreg:$0x7];
	[sflag:s25] =	ssyncset.done @!p0 $0x0  }
.LBB2_4:
0x10c: {  	p1 =	por p0, !p1  }
0x10d: {  	[sflag:s25] =	ssyncadd.s32 @!p1 $0xFFFFFFE0  }
0x10e: {  	[tilespmem:s11], [sflag:$0x1] =	stream.linear.gather [hbm4b:s28+s4], $0x7D00, $0x38;
	[tilespmem:$0x16F30] =	vst v63  }
0x10f: {  	_ =	swait.ge [sflag:s9], $0x7D00  }
0x110: {  	[sflag:s9] =	ssyncset.done $0x0  }
0x111: {  	s24 =	rddreg [dreg:$0x8];
	[sflag:s9] =	ssyncadd.s32 $0xFFFF8300  }
0x112: {  	[tilespmem:s23], [sflag:$0x1] =	stream.linear.gather [hbm4b:s24+s4], $0x7D0, $0x38;
	[tilespmem:$0x16F30] =	vst v63  }
0x113: {  	_ =	swait.ge [sflag:s9], $0x7D0  }
0x114: {  	[sflag:s9] =	ssyncset.done $0x0  }
0x115: {  	s30 =	rddreg [dreg:$0x9];
	[sflag:s9] =	ssyncadd.s32 $0xFFFFF830  }
0x116: {  	[tilespmem:s22], [sflag:$0x1] =	stream.linear.gather [hbm4b:s30+s4], $0x7D0, $0x38;
	[tilespmem:$0x16F30] =	vst v63  }
0x117: {  	_ =	swait.ge [sflag:s9], $0x7D0  }
0x118: {  	[sflag:s9] =	ssyncset.done $0x0  }
0x119: {  	s31 =	rddreg [dreg:$0xa];
	[sflag:s9] =	ssyncadd.s32 $0xFFFFF830  }
0x11a: {  	[tilespmem:s20], [sflag:$0x1] =	stream.linear.gather [hbm4b:s31+s4], $0x7D0, $0x38;
	[tilespmem:$0x16F30] =	vst v63  }
0x11b: {  	_ =	swait.ge [sflag:s9], $0x7D0  }
0x11c: {  	[sflag:s9] =	ssyncset.done $0x0  }
0x11d: {  	s25 =	rddreg [dreg:$0xb];
	[sflag:s9] =	ssyncadd.s32 $0xFFFFF830  }
0x11e: {  	[tilespmem:s16], [sflag:$0x1] =	stream.linear.gather [hbm4b:s25+s4], $0x7D0, $0x38;
	[tilespmem:$0x16F30] =	vst v63  }
0x11f: {  	_ =	swait.ge [sflag:s9], $0x7D0  }
0x120: {  	[sflag:s9] =	ssyncset.done $0x0  }
0x121: {  	s26 =	rddreg [dreg:$0xc];
	[sflag:s9] =	ssyncadd.s32 $0xFFFFF830  }
0x122: {  	[tilespmem:s13], [sflag:$0x1] =	stream.linear.gather [hbm4b:s26+s4], $0x7D0, $0x38;
	[tilespmem:$0x16F30] =	vst v63  }
0x123: {  	_ =	swait.ge [sflag:s9], $0x7D0  }
0x124: {  	s29 =	sshll.u32 s0, $0x6;
	s28 =	rddreg [dreg:$0xd];
	[sflag:s9] =	ssyncset.done $0x0  }
0x125: {  	s24 =	sor.u32 $0x1C01, s29;
	[sflag:s9] =	ssyncadd.s32 $0xFFFFF830;
	s26 =	sshrl.u32 s28, $0x3  }
0x126: {  	[spmem:s26], [sflag:s24] =	dma.local [hbm:s18], $0x4E0  }
0x127: {  	_ =	swait.ge [sflag:s9], $0x4E0  }
0x128: {  	s30 =	rddreg [dreg:$0xe];
	[sflag:s9] =	ssyncset.done $0x0  }
0x129: {  	[sflag:s9] =	ssyncadd.s32 $0xFFFFFB20;
	s31 =	sshrl.u32 s30, $0x3  }
0x12a: {  	[spmem:s31], [sflag:s24] =	dma.local [hbm:s18], $0x4E0  }
0x12b: {  	_ =	swait.ge [sflag:s9], $0x4E0  }
0x12c: {  	s25 =	rddreg [dreg:$0xf];
	[sflag:s9] =	ssyncset.done $0x0  }
0x12d: {  	[sflag:s9] =	ssyncadd.s32 $0xFFFFFB20;
	s29 =	sshrl.u32 @!p0 s25, $0x3;
	s25 =	simm.s32 @!p0 $0x1  }
0x12e: {  	[spmem:s29], [sflag:s24] =	dma.local @!p0 [hbm:s18], $0x20  }
0x12f: {  	_ =	swait.ge @!p0 [sflag:s25], $0x20  }
0x130: {  	s30 =	rddreg [dreg:$0x10];
	[sflag:s25] =	ssyncset.done @!p0 $0x0  }
0x131: {  	[sflag:s25] =	ssyncadd.s32 @!p0 $0xFFFFFFE0;
	s30 =	sshrl.u32 @!p0 s30, $0x3  }
0x132: {  	[spmem:s30], [sflag:s24] =	dma.local @!p0 [hbm:s18], $0x20  }
0x133: {  	_ =	swait.ge @!p0 [sflag:s25], $0x20  }
0x134: {  	[sflag:s25] =	ssyncset.done @!p0 $0x0  }
0x135: {  	[sflag:s25] =	ssyncadd.s32 @!p0 $0xFFFFFFE0  }
0x136: {  	[bflag:$0x0] =	sbarrier.arrive $0xFFFF  }
0x137: {  	[tilespmem:s15], [sflag:$0x1] =	stream.linear.gather [hbm4b:s21+s4], $0x7D00, $0x38;
	[tilespmem:$0x16F30] =	vst v63  }
0x138: {  	_ =	swait.ge [sflag:s9], $0x7D00  }
0x139: {  	[sflag:s9] =	ssyncset.done $0x0  }
0x13a: {  	[sflag:s9] =	ssyncadd.s32 $0xFFFF8300  }
0x13b: {  	[spmem:s3] =	stream.indirect.scatter.add.f32 [tilespmem:s15], [sflag:$0x1], $0x10, s23, s14, $0xb8;
	[tilespmem:$0x16F30] =	vst v63  }
0x13c: {  	_ =	swait.ge [sflag:s9], $0x7D00  }
0x13d: {  	[sflag:s9] =	ssyncset.done $0x0  }
0x13e: {  	[sflag:s9] =	ssyncadd.s32 $0xFFFF8300  }
0x13f: {  	[spmem:s2] =	stream.indirect.scatter.add.f32 [tilespmem:s11], [sflag:$0x1], $0x10, s23, s14, $0xb8;
	[tilespmem:$0x16F30] =	vst v63  }
0x140: {  	_ =	swait.ge [sflag:s9], $0x7D00  }
0x141: {  	[sflag:s9] =	ssyncset.done $0x0  }
0x142: {  	[sflag:s9] =	ssyncadd.s32 $0xFFFF8300  }
0x143: {  	[tilespmem:s15], [sflag:$0x1] =	stream.linear.gather [hbm4b:s19+s4], $0x7D00, $0x38;
	[tilespmem:$0x16F30] =	vst v63  }
0x144: {  	_ =	swait.ge [sflag:s9], $0x7D00  }
0x145: {  	[sflag:s9] =	ssyncset.done $0x0  }
0x146: {  	[sflag:s9] =	ssyncadd.s32 $0xFFFF8300  }
0x147: {  	[spmem:s3] =	stream.indirect.scatter.add.f32 [tilespmem:s15], [sflag:$0x1], $0x10, s22, s14, $0xb8;
	[tilespmem:$0x16F30] =	vst v63  }
0x148: {  	_ =	swait.ge [sflag:s9], $0x7D00  }
0x149: {  	[sflag:s9] =	ssyncset.done $0x0  }
0x14a: {  	[sflag:s9] =	ssyncadd.s32 $0xFFFF8300  }
0x14b: {  	[spmem:s2] =	stream.indirect.scatter.add.f32 [tilespmem:s11], [sflag:$0x1], $0x10, s22, s14, $0xb8;
	[tilespmem:$0x16F30] =	vst v63  }
0x14c: {  	_ =	swait.ge [sflag:s9], $0x7D00  }
0x14d: {  	[sflag:s9] =	ssyncset.done $0x0  }
0x14e: {  	[sflag:s9] =	ssyncadd.s32 $0xFFFF8300  }
0x14f: {  	[tilespmem:s15], [sflag:$0x1] =	stream.linear.gather [hbm4b:s17+s4], $0x7D00, $0x38;
	[tilespmem:$0x16F30] =	vst v63  }
0x150: {  	_ =	swait.ge [sflag:s9], $0x7D00  }
0x151: {  	[sflag:s9] =	ssyncset.done $0x0  }
0x152: {  	[sflag:s9] =	ssyncadd.s32 $0xFFFF8300  }
0x153: {  	[spmem:s3] =	stream.indirect.scatter.add.f32 [tilespmem:s15], [sflag:$0x1], $0x10, s20, s14, $0xb8;
	[tilespmem:$0x16F30] =	vst v63  }
0x154: {  	_ =	swait.ge [sflag:s9], $0x7D00  }
0x155: {  	[sflag:s9] =	ssyncset.done $0x0  }
0x156: {  	[sflag:s9] =	ssyncadd.s32 $0xFFFF8300  }
0x157: {  	[spmem:s2] =	stream.indirect.scatter.add.f32 [tilespmem:s11], [sflag:$0x1], $0x10, s20, s14, $0xb8;
	[tilespmem:$0x16F30] =	vst v63  }
0x158: {  	_ =	swait.ge [sflag:s9], $0x7D00  }
0x159: {  	[sflag:s9] =	ssyncset.done $0x0  }
0x15a: {  	[sflag:s9] =	ssyncadd.s32 $0xFFFF8300  }
0x15b: {  	[tilespmem:s15], [sflag:$0x1] =	stream.linear.gather [hbm4b:s12+s4], $0x7D00, $0x38;
	[tilespmem:$0x16F30] =	vst v63  }
0x15c: {  	_ =	swait.ge [sflag:s9], $0x7D00  }
0x15d: {  	[sflag:s9] =	ssyncset.done $0x0  }
0x15e: {  	[sflag:s9] =	ssyncadd.s32 $0xFFFF8300  }
0x15f: {  	[spmem:s3] =	stream.indirect.scatter.add.f32 [tilespmem:s15], [sflag:$0x1], $0x10, s16, s14, $0xb8;
	[tilespmem:$0x16F30] =	vst v63  }
0x160: {  	_ =	swait.ge [sflag:s9], $0x7D00  }
0x161: {  	[sflag:s9] =	ssyncset.done $0x0  }
0x162: {  	[sflag:s9] =	ssyncadd.s32 $0xFFFF8300  }
0x163: {  	[spmem:s2] =	stream.indirect.scatter.add.f32 [tilespmem:s11], [sflag:$0x1], $0x10, s16, s14, $0xb8;
	[tilespmem:$0x16F30] =	vst v63  }
0x164: {  	_ =	swait.ge [sflag:s9], $0x7D00  }
0x165: {  	[sflag:s9] =	ssyncset.done $0x0  }
0x166: {  	[sflag:s9] =	ssyncadd.s32 $0xFFFF8300  }
0x167: {  	[tilespmem:s15], [sflag:$0x1] =	stream.linear.gather [hbm4b:s10+s4], $0x7D00, $0x38;
	[tilespmem:$0x16F30] =	vst v63  }
0x168: {  	_ =	swait.ge [sflag:s9], $0x7D00  }
0x169: {  	[sflag:s9] =	ssyncset.done $0x0  }
0x16a: {  	[sflag:s9] =	ssyncadd.s32 $0xFFFF8300  }
0x16b: {  	[spmem:s3] =	stream.indirect.scatter.add.f32 [tilespmem:s15], [sflag:$0x1], $0x10, s13, s14, $0xb8;
	[tilespmem:$0x16F30] =	vst v63  }
0x16c: {  	_ =	swait.ge [sflag:s9], $0x7D00  }
0x16d: {  	[sflag:s9] =	ssyncset.done $0x0  }
0x16e: {  	[sflag:s9] =	ssyncadd.s32 $0xFFFF8300  }
0x16f: {  	[spmem:s2] =	stream.indirect.scatter.add.f32 [tilespmem:s11], [sflag:$0x1], $0x10, s13, s14, $0xb8;
	[tilespmem:$0x16F30] =	vst v63  }
0x170: {  	_ =	swait.ge [sflag:s9], $0x7D00  }
0x171: {  	[sflag:s9] =	ssyncset.done $0x0  }
0x172: {  	[sflag:s9] =	ssyncadd.s32 $0xFFFF8300  }
0x173: {  	[bflag:$0x0] =	sbarrier.arrive $0xFFFF  }
0x174: {  	[hbm:s8], [sflag:s24] =	dma.local [spmem:s26], $0x4E0  }
0x175: {  	_ =	swait.ge [sflag:s9], $0x4E0  }
0x176: {  	[sflag:s9] =	ssyncset.done $0x0  }
0x177: {  	[sflag:s9] =	ssyncadd.s32 $0xFFFFFB20  }
0x178: {  	[hbm:s7], [sflag:s24] =	dma.local [spmem:s31], $0x4E0  }
0x179: {  	_ =	swait.ge [sflag:s9], $0x4E0  }
0x17a: {  	[sflag:s9] =	ssyncset.done $0x0  }
0x17b: {  	[sflag:s9] =	ssyncadd.s32 $0xFFFFFB20  }
0x17c: {  	[hbm:s6], [sflag:s24] =	dma.local @!p0 [spmem:s29], $0x20  }
0x17d: {  	_ =	swait.ge @!p0 [sflag:s25], $0x20  }
0x17e: {  	[sflag:s25] =	ssyncset.done @!p0 $0x0  }
0x17f: {  	[sflag:s25] =	ssyncadd.s32 @!p0 $0xFFFFFFE0  }
0x180: {  	[hbm:s5], [sflag:s24] =	dma.local @!p0 [spmem:s30], $0x20  }
0x181: {  	_ =	swait.ge @!p0 [sflag:s25], $0x20  }
0x182: {  	[sflag:s25] =	ssyncset.done @!p0 $0x0  }
0x183: {  	[sflag:s25] =	ssyncadd.s32 @!p0 $0xFFFFFFE0  }
0x184: {  	_ =	sfence.sel $0x180000  }
0x185: {  	[bflag:$0x0] =	sbarrier.arrive $0xFFFF  }
0x186: {  	p0 =	sne.s32 s0, $0x0;
	_ =	strace $0x90000047  }
0x187: {  	s0 =	sadd.s32 @!p0 $0x100000, s1;
	[bflag:$0x2] =	sbarrier.arrive $0xFFFF  }
0x188: {  	[sflag:s0] =	ssyncadd.tile.s32 @!p0 $0x1;
	_ =	shalt  }
.LBB2_1:
.Ltmp3:
0x189: {  	(pc) =	sbr.rel .LBB2_4-.Ltmp3, $2  }
0x18a: {  	_ =	sdelay $0x2  }
0x18b: {  	_ = 	snop  }
.Lfunc_end2:
_tile_overlayer_lowered:
.L_overlay_start_2:
0x18c: {  	(tag) =	ssettag $0x2  }
0x18d: {  	s0 =	rddreg [dreg:$0x0];
	s2 =	stileid.u32  }
0x18e: {  	s1 =	rddreg [dreg:$0x1];
	p0 =	sne.s32 s2, $0x0  }
0x18f: {  	s3 =	rddreg [dreg:$0x2];
	[bflag:$0x3] =	sbarrier.arrive $0xFFFF;
	s2 =	simm.s32 @!p0 $0x1C01  }
0x190: {  	[timem:s3], [sflag:s2] =	dma.local @!p0 [hbm:s0], s1  }
0x191: {  	s0 =	simm.s32 @!p0 $0x1  }
0x192: {  	_ =	swait.ge @!p0 [sflag:s0], s1  }
0x193: {  	s1 =	ssub.s32 @!p0 $0x0, s1;
	[sflag:s0] =	ssyncset.done @!p0 $0x0  }
0x194: {  	[sflag:s0] =	ssyncadd.s32 @!p0 s1  }
0x195: {  	[bflag:$0x3] =	sbarrier.arrive $0xFFFF  }
0x196: {  	_ =	shalt  }

</sc_bundles>
